<compile_context>
chip_gen: v7x
topology: tpu7x:2x2x1
jax: 0.10.2.dev20260603
libtpu: 0.0.44.dev20260713+nightly
codegen_flags: <defaults>
</compile_context>

<pallas_src>
import jax
import jax.numpy as jnp
from jax import lax
from jax.experimental import pallas as pl
from jax.experimental.pallas import tpu as pltpu
from jax.experimental.pallas import tpu_sc as plsc

NC = 2
NS = 16
NW = NC * NS

BATCH = 4096
HIST = 50
D = 128

B = BATCH * HIST
BPW = B // NW
CHUNK = 128
NCHUNK = BPW // CHUNK

_mesh = plsc.VectorSubcoreMesh(core_axis_name="c", subcore_axis_name="s")


NBUF = 5


def _gather_body(idx_hbm, table_hbm, out_hbm, idx_v,
                 rows0, rows1, rows2, rows3, rows4, gsem, wsem):
    wid = lax.axis_index("s") * NC + lax.axis_index("c")
    rows = (rows0, rows1, rows2, rows3, rows4)

    pltpu.sync_copy(idx_hbm.at[:, pl.ds(wid * CHUNK, CHUNK)], idx_v)

    def start_gather(ci, b):
        pltpu.make_async_copy(table_hbm.at[idx_v.at[ci]], rows[b],
                              gsem).start()

    def wait_gather(ci, b):
        pltpu.make_async_copy(table_hbm.at[idx_v.at[ci]], rows[b],
                              gsem).wait()

    def start_write(ci, b):
        off = ci * BATCH + wid * CHUNK
        pltpu.make_async_copy(rows[b], out_hbm.at[pl.ds(off, CHUNK)],
                              wsem).start()

    def wait_write(b):
        pltpu.make_async_copy(rows[b], out_hbm.at[pl.ds(0, CHUNK)],
                              wsem).wait()

    for b in range(NBUF):
        start_gather(b, b)

    def step(ci, b, refill):
        wait_gather(ci, b)
        start_write(ci, b)
        if refill is None:
            return
        wait_write(b)
        start_gather(refill, (b - 2) % NBUF)

    for b in range(2):
        wait_gather(b, b)
        start_write(b, b)
    for b in range(2, NBUF):
        step(b, b, b - 2 + NBUF)

    def group(g, _):
        for b in range(NBUF):
            ci = NBUF * g + b
            step(ci, b, ci - 2 + NBUF)
        return 0

    lax.fori_loop(1, NCHUNK // NBUF - 1, group, 0)

    for b in range(NBUF):
        ci = NCHUNK - NBUF + b
        step(ci, b, ci - 2 + NBUF if ci - 2 + NBUF < NCHUNK else None)
        if ci - 2 + NBUF >= NCHUNK:
            wait_write(b)
    wait_write(0)
    wait_write(1)


def _make_kernel(interpret=False):
    return pl.kernel(
        _gather_body,
        out_type=jax.ShapeDtypeStruct((B, D), jnp.float32),
        mesh=_mesh,
        scratch_types=[
            pltpu.VMEM((HIST, CHUNK), jnp.int32),
            pltpu.VMEM((CHUNK, D), jnp.float32),
            pltpu.VMEM((CHUNK, D), jnp.float32),
            pltpu.VMEM((CHUNK, D), jnp.float32),
            pltpu.VMEM((CHUNK, D), jnp.float32),
            pltpu.VMEM((CHUNK, D), jnp.float32),
            pltpu.SemaphoreType.DMA,
            pltpu.SemaphoreType.DMA,
        ],
        interpret=interpret,
    )


_gather_kernel = _make_kernel()


def kernel(x, GloVe):
    out = _gather_kernel(x.T.astype(jnp.int32), GloVe)
    return out.reshape(HIST, BATCH, D).transpose(1, 0, 2)

# --- scband reference (transcript-rebuilt; emitter-appended) ---
"""Pipeline reference for scband-glo-ve-embedding-77764677862077 (READ-ONLY COPY).

The authoritative reference and input builder live on the scoring server;
editing this copy changes nothing except your own understanding.
"""

import jax, jax.numpy as jnp
import numpy as np

VOCAB = 100000
EMBED_DIM = 128
BATCH = 4096
HIST = 50

def setup_inputs(seed: int = 0) -> dict:
    key = jax.random.key(seed)
    k1, k2 = jax.random.split(key)
    x = jax.random.randint(k1, (BATCH, HIST), 0, VOCAB, dtype=jnp.int64 if jax.config.jax_enable_x64 else jnp.int32)
    GloVe = jax.random.normal(k2, (VOCAB, EMBED_DIM), dtype=jnp.float32) * 0.1
    return {"x": x, "GloVe": GloVe}

def reference(x, GloVe):
    # tf.nn.embedding_lookup(self.GloVe, x) -> gather rows of table
    return jnp.take(GloVe, x, axis=0)

if __name__ == "__main__":
    import jax
    _d = setup_inputs()
    print(jax.jit(kernel)(*tuple(_d.values())))

</pallas_src>

<mosaic_0001>
#map = affine_map<(d0, d1) -> (0, 0)>
module attributes {stable_mosaic.version = 14 : i64} {
  func.func @_gather_body(%arg0: i32, %arg1: i32, %arg2: memref<50x4096xi32, #tpu.memory_space<hbm>>, %arg3: memref<100000x128xf32, #tpu.memory_space<hbm>>, %arg4: memref<204800x128xf32, #tpu.memory_space<hbm>>, %arg5: memref<50x128xi32, #tpu.memory_space<vmem>>, %arg6: memref<128x128xf32, #tpu.memory_space<vmem>>, %arg7: memref<128x128xf32, #tpu.memory_space<vmem>>, %arg8: memref<128x128xf32, #tpu.memory_space<vmem>>, %arg9: memref<128x128xf32, #tpu.memory_space<vmem>>, %arg10: memref<128x128xf32, #tpu.memory_space<vmem>>, %arg11: memref<!tpu.dma_semaphore, #tpu.memory_space<semaphore_mem>>, %arg12: memref<!tpu.dma_semaphore, #tpu.memory_space<semaphore_mem>>) attributes {dimension_semantics = [#tpu.dimension_semantics<core_parallel>, #tpu.dimension_semantics<subcore_parallel>], iteration_bounds = array<i64: 2, 16>, scalar_prefetch = 0 : i64, scratch_operands = 8 : i64, tpu.core_type = #tpu.core_type<sc_vector_subcore>, window_params = [{transform_indices = #map}, {transform_indices = #map}, {transform_indices = #map}]} {
    %mul3A = arith.constant 2 : i32
    %mul3A_0 = arith.muli %arg1, %mul3A : i32
    %add3A = arith.addi %mul3A_0, %arg0 : i32
    %mul3A_1 = arith.constant 128 : i32
    %mul3A_2 = arith.muli %add3A, %mul3A_1 : i32
    "tpu.region"() ({
      %run_scoped3A = tpu.sem_alloc : memref<!tpu.dma_semaphore, #tpu.memory_space<semaphore_mem>>
      %dma_start3A_287 = arith.constant 0 : i32
      %dma_start3A_288 = tpu.memref_slice %arg2[%dma_start3A_287, %mul3A_2] : memref<50x4096xi32, #tpu.memory_space<hbm>> -> memref<50x128xi32, #tpu.memory_space<hbm>>
      %dma_start3A_289 = arith.constant 0 : i32
      %dma_start3A_290 = tpu.memref_slice %arg2[%dma_start3A_289, %mul3A_2] : memref<50x4096xi32, #tpu.memory_space<hbm>> -> memref<50x128xi32, #tpu.memory_space<hbm>>
      tpu.enqueue_dma source(%dma_start3A_290 : memref<50x128xi32, #tpu.memory_space<hbm>>) target(%arg5 : memref<50x128xi32, #tpu.memory_space<vmem>>) target_semaphore(%run_scoped3A : memref<!tpu.dma_semaphore, #tpu.memory_space<semaphore_mem>>)
      %dma_wait3A_291 = arith.constant 0 : i32
      %dma_wait3A_292 = tpu.memref_slice %arg2[%dma_wait3A_291, %mul3A_2] : memref<50x4096xi32, #tpu.memory_space<hbm>> -> memref<50x128xi32, #tpu.memory_space<hbm>>
      %dma_wait3A_293 = arith.constant 0 : i32
      %dma_wait3A_294 = tpu.memref_slice %arg2[%dma_wait3A_293, %mul3A_2] : memref<50x4096xi32, #tpu.memory_space<hbm>> -> memref<50x128xi32, #tpu.memory_space<hbm>>
      tpu.wait_dma2 semaphore(%run_scoped3A : memref<!tpu.dma_semaphore, #tpu.memory_space<semaphore_mem>>) src(%dma_wait3A_294 : memref<50x128xi32, #tpu.memory_space<hbm>>) dst(%arg5 : memref<50x128xi32, #tpu.memory_space<vmem>>)
      tpu.yield
    }) : () -> ()
    %dma_start3A = arith.constant 0 : i32
    %dma_start3A_3 = arith.constant 0 : i32
    %dma_start3A_4 = tpu.memref_slice %arg5[%dma_start3A, %dma_start3A_3] : memref<50x128xi32, #tpu.memory_space<vmem>> -> memref<1x128xi32, #tpu.memory_space<vmem>>
    %dma_start3A_5 = tpu.memref_squeeze %dma_start3A_4 : memref<1x128xi32, #tpu.memory_space<vmem>> -> memref<128xi32, #tpu.memory_space<vmem>>
    %dma_start3A_6 = arith.constant 0 : i32
    %dma_start3A_7 = arith.constant 0 : i32
    %dma_start3A_8 = tpu.memref_slice %arg3[%dma_start3A_6, %dma_start3A_7] : memref<100000x128xf32, #tpu.memory_space<hbm>> -> memref<100000x128xf32, #tpu.memory_space<hbm>>
    tpu.enqueue_indirect_dma source(%dma_start3A_8 : memref<100000x128xf32, #tpu.memory_space<hbm>>) target(%arg6 : memref<128x128xf32, #tpu.memory_space<vmem>>) offsets(%dma_start3A_5 : memref<128xi32, #tpu.memory_space<vmem>>) semaphore(%arg11 : memref<!tpu.dma_semaphore, #tpu.memory_space<semaphore_mem>>)
    %dma_start3A_9 = arith.constant 1 : i32
    %dma_start3A_10 = arith.constant 0 : i32
    %dma_start3A_11 = tpu.memref_slice %arg5[%dma_start3A_9, %dma_start3A_10] : memref<50x128xi32, #tpu.memory_space<vmem>> -> memref<1x128xi32, #tpu.memory_space<vmem>>
    %dma_start3A_12 = tpu.memref_squeeze %dma_start3A_11 : memref<1x128xi32, #tpu.memory_space<vmem>> -> memref<128xi32, #tpu.memory_space<vmem>>
    %dma_start3A_13 = arith.constant 0 : i32
    %dma_start3A_14 = arith.constant 0 : i32
    %dma_start3A_15 = tpu.memref_slice %arg3[%dma_start3A_13, %dma_start3A_14] : memref<100000x128xf32, #tpu.memory_space<hbm>> -> memref<100000x128xf32, #tpu.memory_space<hbm>>
    tpu.enqueue_indirect_dma source(%dma_start3A_15 : memref<100000x128xf32, #tpu.memory_space<hbm>>) target(%arg7 : memref<128x128xf32, #tpu.memory_space<vmem>>) offsets(%dma_start3A_12 : memref<128xi32, #tpu.memory_space<vmem>>) semaphore(%arg11 : memref<!tpu.dma_semaphore, #tpu.memory_space<semaphore_mem>>)
    %dma_start3A_16 = arith.constant 2 : i32
    %dma_start3A_17 = arith.constant 0 : i32
    %dma_start3A_18 = tpu.memref_slice %arg5[%dma_start3A_16, %dma_start3A_17] : memref<50x128xi32, #tpu.memory_space<vmem>> -> memref<1x128xi32, #tpu.memory_space<vmem>>
    %dma_start3A_19 = tpu.memref_squeeze %dma_start3A_18 : memref<1x128xi32, #tpu.memory_space<vmem>> -> memref<128xi32, #tpu.memory_space<vmem>>
    %dma_start3A_20 = arith.constant 0 : i32
    %dma_start3A_21 = arith.constant 0 : i32
    %dma_start3A_22 = tpu.memref_slice %arg3[%dma_start3A_20, %dma_start3A_21] : memref<100000x128xf32, #tpu.memory_space<hbm>> -> memref<100000x128xf32, #tpu.memory_space<hbm>>
    tpu.enqueue_indirect_dma source(%dma_start3A_22 : memref<100000x128xf32, #tpu.memory_space<hbm>>) target(%arg8 : memref<128x128xf32, #tpu.memory_space<vmem>>) offsets(%dma_start3A_19 : memref<128xi32, #tpu.memory_space<vmem>>) semaphore(%arg11 : memref<!tpu.dma_semaphore, #tpu.memory_space<semaphore_mem>>)
    %dma_start3A_23 = arith.constant 3 : i32
    %dma_start3A_24 = arith.constant 0 : i32
    %dma_start3A_25 = tpu.memref_slice %arg5[%dma_start3A_23, %dma_start3A_24] : memref<50x128xi32, #tpu.memory_space<vmem>> -> memref<1x128xi32, #tpu.memory_space<vmem>>
    %dma_start3A_26 = tpu.memref_squeeze %dma_start3A_25 : memref<1x128xi32, #tpu.memory_space<vmem>> -> memref<128xi32, #tpu.memory_space<vmem>>
    %dma_start3A_27 = arith.constant 0 : i32
    %dma_start3A_28 = arith.constant 0 : i32
    %dma_start3A_29 = tpu.memref_slice %arg3[%dma_start3A_27, %dma_start3A_28] : memref<100000x128xf32, #tpu.memory_space<hbm>> -> memref<100000x128xf32, #tpu.memory_space<hbm>>
    tpu.enqueue_indirect_dma source(%dma_start3A_29 : memref<100000x128xf32, #tpu.memory_space<hbm>>) target(%arg9 : memref<128x128xf32, #tpu.memory_space<vmem>>) offsets(%dma_start3A_26 : memref<128xi32, #tpu.memory_space<vmem>>) semaphore(%arg11 : memref<!tpu.dma_semaphore, #tpu.memory_space<semaphore_mem>>)
    %dma_start3A_30 = arith.constant 4 : i32
    %dma_start3A_31 = arith.constant 0 : i32
    %dma_start3A_32 = tpu.memref_slice %arg5[%dma_start3A_30, %dma_start3A_31] : memref<50x128xi32, #tpu.memory_space<vmem>> -> memref<1x128xi32, #tpu.memory_space<vmem>>
    %dma_start3A_33 = tpu.memref_squeeze %dma_start3A_32 : memref<1x128xi32, #tpu.memory_space<vmem>> -> memref<128xi32, #tpu.memory_space<vmem>>
    %dma_start3A_34 = arith.constant 0 : i32
    %dma_start3A_35 = arith.constant 0 : i32
    %dma_start3A_36 = tpu.memref_slice %arg3[%dma_start3A_34, %dma_start3A_35] : memref<100000x128xf32, #tpu.memory_space<hbm>> -> memref<100000x128xf32, #tpu.memory_space<hbm>>
    tpu.enqueue_indirect_dma source(%dma_start3A_36 : memref<100000x128xf32, #tpu.memory_space<hbm>>) target(%arg10 : memref<128x128xf32, #tpu.memory_space<vmem>>) offsets(%dma_start3A_33 : memref<128xi32, #tpu.memory_space<vmem>>) semaphore(%arg11 : memref<!tpu.dma_semaphore, #tpu.memory_space<semaphore_mem>>)
    %dma_wait3A = arith.constant 0 : i32
    %dma_wait3A_37 = arith.constant 0 : i32
    %dma_wait3A_38 = tpu.memref_slice %arg5[%dma_wait3A, %dma_wait3A_37] : memref<50x128xi32, #tpu.memory_space<vmem>> -> memref<1x128xi32, #tpu.memory_space<vmem>>
    %dma_wait3A_39 = tpu.memref_squeeze %dma_wait3A_38 : memref<1x128xi32, #tpu.memory_space<vmem>> -> memref<128xi32, #tpu.memory_space<vmem>>
    %dma_wait3A_40 = arith.constant 0 : i32
    %dma_wait3A_41 = arith.constant 0 : i32
    %dma_wait3A_42 = tpu.memref_slice %arg3[%dma_wait3A_40, %dma_wait3A_41] : memref<100000x128xf32, #tpu.memory_space<hbm>> -> memref<100000x128xf32, #tpu.memory_space<hbm>>
    tpu.wait_indirect_dma semaphore(%arg11 : memref<!tpu.dma_semaphore, #tpu.memory_space<semaphore_mem>>) src(%dma_wait3A_42 : memref<100000x128xf32, #tpu.memory_space<hbm>>) dst(%arg6 : memref<128x128xf32, #tpu.memory_space<vmem>>)
    %mul3A_43 = arith.constant 128 : i32
    %mul3A_44 = arith.muli %add3A, %mul3A_43 : i32
    %add3A_45 = arith.constant 0 : i32
    %add3A_46 = arith.addi %add3A_45, %mul3A_44 : i32
    %dma_start3A_47 = arith.constant 0 : i32
    %dma_start3A_48 = tpu.memref_slice %arg4[%add3A_46, %dma_start3A_47] : memref<204800x128xf32, #tpu.memory_space<hbm>> -> memref<128x128xf32, #tpu.memory_space<hbm>>
    %dma_start3A_49 = arith.constant 0 : i32
    %dma_start3A_50 = tpu.memref_slice %arg4[%add3A_46, %dma_start3A_49] : memref<204800x128xf32, #tpu.memory_space<hbm>> -> memref<128x128xf32, #tpu.memory_space<hbm>>
    tpu.enqueue_dma source(%arg6 : memref<128x128xf32, #tpu.memory_space<vmem>>) target(%dma_start3A_50 : memref<128x128xf32, #tpu.memory_space<hbm>>) target_semaphore(%arg12 : memref<!tpu.dma_semaphore, #tpu.memory_space<semaphore_mem>>)
    %dma_wait3A_51 = arith.constant 1 : i32
    %dma_wait3A_52 = arith.constant 0 : i32
    %dma_wait3A_53 = tpu.memref_slice %arg5[%dma_wait3A_51, %dma_wait3A_52] : memref<50x128xi32, #tpu.memory_space<vmem>> -> memref<1x128xi32, #tpu.memory_space<vmem>>
    %dma_wait3A_54 = tpu.memref_squeeze %dma_wait3A_53 : memref<1x128xi32, #tpu.memory_space<vmem>> -> memref<128xi32, #tpu.memory_space<vmem>>
    %dma_wait3A_55 = arith.constant 0 : i32
    %dma_wait3A_56 = arith.constant 0 : i32
    %dma_wait3A_57 = tpu.memref_slice %arg3[%dma_wait3A_55, %dma_wait3A_56] : memref<100000x128xf32, #tpu.memory_space<hbm>> -> memref<100000x128xf32, #tpu.memory_space<hbm>>
    tpu.wait_indirect_dma semaphore(%arg11 : memref<!tpu.dma_semaphore, #tpu.memory_space<semaphore_mem>>) src(%dma_wait3A_57 : memref<100000x128xf32, #tpu.memory_space<hbm>>) dst(%arg7 : memref<128x128xf32, #tpu.memory_space<vmem>>)
    %mul3A_58 = arith.constant 128 : i32
    %mul3A_59 = arith.muli %add3A, %mul3A_58 : i32
    %add3A_60 = arith.constant 4096 : i32
    %add3A_61 = arith.addi %add3A_60, %mul3A_59 : i32
    %dma_start3A_62 = arith.constant 0 : i32
    %dma_start3A_63 = tpu.memref_slice %arg4[%add3A_61, %dma_start3A_62] : memref<204800x128xf32, #tpu.memory_space<hbm>> -> memref<128x128xf32, #tpu.memory_space<hbm>>
    %dma_start3A_64 = arith.constant 0 : i32
    %dma_start3A_65 = tpu.memref_slice %arg4[%add3A_61, %dma_start3A_64] : memref<204800x128xf32, #tpu.memory_space<hbm>> -> memref<128x128xf32, #tpu.memory_space<hbm>>
    tpu.enqueue_dma source(%arg7 : memref<128x128xf32, #tpu.memory_space<vmem>>) target(%dma_start3A_65 : memref<128x128xf32, #tpu.memory_space<hbm>>) target_semaphore(%arg12 : memref<!tpu.dma_semaphore, #tpu.memory_space<semaphore_mem>>)
    %dma_wait3A_66 = arith.constant 2 : i32
    %dma_wait3A_67 = arith.constant 0 : i32
    %dma_wait3A_68 = tpu.memref_slice %arg5[%dma_wait3A_66, %dma_wait3A_67] : memref<50x128xi32, #tpu.memory_space<vmem>> -> memref<1x128xi32, #tpu.memory_space<vmem>>
    %dma_wait3A_69 = tpu.memref_squeeze %dma_wait3A_68 : memref<1x128xi32, #tpu.memory_space<vmem>> -> memref<128xi32, #tpu.memory_space<vmem>>
    %dma_wait3A_70 = arith.constant 0 : i32
    %dma_wait3A_71 = arith.constant 0 : i32
    %dma_wait3A_72 = tpu.memref_slice %arg3[%dma_wait3A_70, %dma_wait3A_71] : memref<100000x128xf32, #tpu.memory_space<hbm>> -> memref<100000x128xf32, #tpu.memory_space<hbm>>
    tpu.wait_indirect_dma semaphore(%arg11 : memref<!tpu.dma_semaphore, #tpu.memory_space<semaphore_mem>>) src(%dma_wait3A_72 : memref<100000x128xf32, #tpu.memory_space<hbm>>) dst(%arg8 : memref<128x128xf32, #tpu.memory_space<vmem>>)
    %mul3A_73 = arith.constant 128 : i32
    %mul3A_74 = arith.muli %add3A, %mul3A_73 : i32
    %add3A_75 = arith.constant 8192 : i32
    %add3A_76 = arith.addi %add3A_75, %mul3A_74 : i32
    %dma_start3A_77 = arith.constant 0 : i32
    %dma_start3A_78 = tpu.memref_slice %arg4[%add3A_76, %dma_start3A_77] : memref<204800x128xf32, #tpu.memory_space<hbm>> -> memref<128x128xf32, #tpu.memory_space<hbm>>
    %dma_start3A_79 = arith.constant 0 : i32
    %dma_start3A_80 = tpu.memref_slice %arg4[%add3A_76, %dma_start3A_79] : memref<204800x128xf32, #tpu.memory_space<hbm>> -> memref<128x128xf32, #tpu.memory_space<hbm>>
    tpu.enqueue_dma source(%arg8 : memref<128x128xf32, #tpu.memory_space<vmem>>) target(%dma_start3A_80 : memref<128x128xf32, #tpu.memory_space<hbm>>) target_semaphore(%arg12 : memref<!tpu.dma_semaphore, #tpu.memory_space<semaphore_mem>>)
    %dma_wait3A_81 = arith.constant 0 : i32
    %dma_wait3A_82 = arith.constant 0 : i32
    %dma_wait3A_83 = tpu.memref_slice %arg4[%dma_wait3A_81, %dma_wait3A_82] : memref<204800x128xf32, #tpu.memory_space<hbm>> -> memref<128x128xf32, #tpu.memory_space<hbm>>
    %dma_wait3A_84 = arith.constant 0 : i32
    %dma_wait3A_85 = arith.constant 0 : i32
    %dma_wait3A_86 = tpu.memref_slice %arg4[%dma_wait3A_84, %dma_wait3A_85] : memref<204800x128xf32, #tpu.memory_space<hbm>> -> memref<128x128xf32, #tpu.memory_space<hbm>>
    tpu.wait_dma2 semaphore(%arg12 : memref<!tpu.dma_semaphore, #tpu.memory_space<semaphore_mem>>) src(%arg8 : memref<128x128xf32, #tpu.memory_space<vmem>>) dst(%dma_wait3A_86 : memref<128x128xf32, #tpu.memory_space<hbm>>)
    %dma_start3A_87 = arith.constant 5 : i32
    %dma_start3A_88 = arith.constant 0 : i32
    %dma_start3A_89 = tpu.memref_slice %arg5[%dma_start3A_87, %dma_start3A_88] : memref<50x128xi32, #tpu.memory_space<vmem>> -> memref<1x128xi32, #tpu.memory_space<vmem>>
    %dma_start3A_90 = tpu.memref_squeeze %dma_start3A_89 : memref<1x128xi32, #tpu.memory_space<vmem>> -> memref<128xi32, #tpu.memory_space<vmem>>
    %dma_start3A_91 = arith.constant 0 : i32
    %dma_start3A_92 = arith.constant 0 : i32
    %dma_start3A_93 = tpu.memref_slice %arg3[%dma_start3A_91, %dma_start3A_92] : memref<100000x128xf32, #tpu.memory_space<hbm>> -> memref<100000x128xf32, #tpu.memory_space<hbm>>
    tpu.enqueue_indirect_dma source(%dma_start3A_93 : memref<100000x128xf32, #tpu.memory_space<hbm>>) target(%arg6 : memref<128x128xf32, #tpu.memory_space<vmem>>) offsets(%dma_start3A_90 : memref<128xi32, #tpu.memory_space<vmem>>) semaphore(%arg11 : memref<!tpu.dma_semaphore, #tpu.memory_space<semaphore_mem>>)
    %dma_wait3A_94 = arith.constant 3 : i32
    %dma_wait3A_95 = arith.constant 0 : i32
    %dma_wait3A_96 = tpu.memref_slice %arg5[%dma_wait3A_94, %dma_wait3A_95] : memref<50x128xi32, #tpu.memory_space<vmem>> -> memref<1x128xi32, #tpu.memory_space<vmem>>
    %dma_wait3A_97 = tpu.memref_squeeze %dma_wait3A_96 : memref<1x128xi32, #tpu.memory_space<vmem>> -> memref<128xi32, #tpu.memory_space<vmem>>
    %dma_wait3A_98 = arith.constant 0 : i32
    %dma_wait3A_99 = arith.constant 0 : i32
    %dma_wait3A_100 = tpu.memref_slice %arg3[%dma_wait3A_98, %dma_wait3A_99] : memref<100000x128xf32, #tpu.memory_space<hbm>> -> memref<100000x128xf32, #tpu.memory_space<hbm>>
    tpu.wait_indirect_dma semaphore(%arg11 : memref<!tpu.dma_semaphore, #tpu.memory_space<semaphore_mem>>) src(%dma_wait3A_100 : memref<100000x128xf32, #tpu.memory_space<hbm>>) dst(%arg9 : memref<128x128xf32, #tpu.memory_space<vmem>>)
    %mul3A_101 = arith.constant 128 : i32
    %mul3A_102 = arith.muli %add3A, %mul3A_101 : i32
    %add3A_103 = arith.constant 12288 : i32
    %add3A_104 = arith.addi %add3A_103, %mul3A_102 : i32
    %dma_start3A_105 = arith.constant 0 : i32
    %dma_start3A_106 = tpu.memref_slice %arg4[%add3A_104, %dma_start3A_105] : memref<204800x128xf32, #tpu.memory_space<hbm>> -> memref<128x128xf32, #tpu.memory_space<hbm>>
    %dma_start3A_107 = arith.constant 0 : i32
    %dma_start3A_108 = tpu.memref_slice %arg4[%add3A_104, %dma_start3A_107] : memref<204800x128xf32, #tpu.memory_space<hbm>> -> memref<128x128xf32, #tpu.memory_space<hbm>>
    tpu.enqueue_dma source(%arg9 : memref<128x128xf32, #tpu.memory_space<vmem>>) target(%dma_start3A_108 : memref<128x128xf32, #tpu.memory_space<hbm>>) target_semaphore(%arg12 : memref<!tpu.dma_semaphore, #tpu.memory_space<semaphore_mem>>)
    %dma_wait3A_109 = arith.constant 0 : i32
    %dma_wait3A_110 = arith.constant 0 : i32
    %dma_wait3A_111 = tpu.memref_slice %arg4[%dma_wait3A_109, %dma_wait3A_110] : memref<204800x128xf32, #tpu.memory_space<hbm>> -> memref<128x128xf32, #tpu.memory_space<hbm>>
    %dma_wait3A_112 = arith.constant 0 : i32
    %dma_wait3A_113 = arith.constant 0 : i32
    %dma_wait3A_114 = tpu.memref_slice %arg4[%dma_wait3A_112, %dma_wait3A_113] : memref<204800x128xf32, #tpu.memory_space<hbm>> -> memref<128x128xf32, #tpu.memory_space<hbm>>
    tpu.wait_dma2 semaphore(%arg12 : memref<!tpu.dma_semaphore, #tpu.memory_space<semaphore_mem>>) src(%arg9 : memref<128x128xf32, #tpu.memory_space<vmem>>) dst(%dma_wait3A_114 : memref<128x128xf32, #tpu.memory_space<hbm>>)
    %dma_start3A_115 = arith.constant 6 : i32
    %dma_start3A_116 = arith.constant 0 : i32
    %dma_start3A_117 = tpu.memref_slice %arg5[%dma_start3A_115, %dma_start3A_116] : memref<50x128xi32, #tpu.memory_space<vmem>> -> memref<1x128xi32, #tpu.memory_space<vmem>>
    %dma_start3A_118 = tpu.memref_squeeze %dma_start3A_117 : memref<1x128xi32, #tpu.memory_space<vmem>> -> memref<128xi32, #tpu.memory_space<vmem>>
    %dma_start3A_119 = arith.constant 0 : i32
    %dma_start3A_120 = arith.constant 0 : i32
    %dma_start3A_121 = tpu.memref_slice %arg3[%dma_start3A_119, %dma_start3A_120] : memref<100000x128xf32, #tpu.memory_space<hbm>> -> memref<100000x128xf32, #tpu.memory_space<hbm>>
    tpu.enqueue_indirect_dma source(%dma_start3A_121 : memref<100000x128xf32, #tpu.memory_space<hbm>>) target(%arg7 : memref<128x128xf32, #tpu.memory_space<vmem>>) offsets(%dma_start3A_118 : memref<128xi32, #tpu.memory_space<vmem>>) semaphore(%arg11 : memref<!tpu.dma_semaphore, #tpu.memory_space<semaphore_mem>>)
    %dma_wait3A_122 = arith.constant 4 : i32
    %dma_wait3A_123 = arith.constant 0 : i32
    %dma_wait3A_124 = tpu.memref_slice %arg5[%dma_wait3A_122, %dma_wait3A_123] : memref<50x128xi32, #tpu.memory_space<vmem>> -> memref<1x128xi32, #tpu.memory_space<vmem>>
    %dma_wait3A_125 = tpu.memref_squeeze %dma_wait3A_124 : memref<1x128xi32, #tpu.memory_space<vmem>> -> memref<128xi32, #tpu.memory_space<vmem>>
    %dma_wait3A_126 = arith.constant 0 : i32
    %dma_wait3A_127 = arith.constant 0 : i32
    %dma_wait3A_128 = tpu.memref_slice %arg3[%dma_wait3A_126, %dma_wait3A_127] : memref<100000x128xf32, #tpu.memory_space<hbm>> -> memref<100000x128xf32, #tpu.memory_space<hbm>>
    tpu.wait_indirect_dma semaphore(%arg11 : memref<!tpu.dma_semaphore, #tpu.memory_space<semaphore_mem>>) src(%dma_wait3A_128 : memref<100000x128xf32, #tpu.memory_space<hbm>>) dst(%arg10 : memref<128x128xf32, #tpu.memory_space<vmem>>)
    %mul3A_129 = arith.constant 128 : i32
    %mul3A_130 = arith.muli %add3A, %mul3A_129 : i32
    %add3A_131 = arith.constant 16384 : i32
    %add3A_132 = arith.addi %add3A_131, %mul3A_130 : i32
    %dma_start3A_133 = arith.constant 0 : i32
    %dma_start3A_134 = tpu.memref_slice %arg4[%add3A_132, %dma_start3A_133] : memref<204800x128xf32, #tpu.memory_space<hbm>> -> memref<128x128xf32, #tpu.memory_space<hbm>>
    %dma_start3A_135 = arith.constant 0 : i32
    %dma_start3A_136 = tpu.memref_slice %arg4[%add3A_132, %dma_start3A_135] : memref<204800x128xf32, #tpu.memory_space<hbm>> -> memref<128x128xf32, #tpu.memory_space<hbm>>
    tpu.enqueue_dma source(%arg10 : memref<128x128xf32, #tpu.memory_space<vmem>>) target(%dma_start3A_136 : memref<128x128xf32, #tpu.memory_space<hbm>>) target_semaphore(%arg12 : memref<!tpu.dma_semaphore, #tpu.memory_space<semaphore_mem>>)
    %dma_wait3A_137 = arith.constant 0 : i32
    %dma_wait3A_138 = arith.constant 0 : i32
    %dma_wait3A_139 = tpu.memref_slice %arg4[%dma_wait3A_137, %dma_wait3A_138] : memref<204800x128xf32, #tpu.memory_space<hbm>> -> memref<128x128xf32, #tpu.memory_space<hbm>>
    %dma_wait3A_140 = arith.constant 0 : i32
    %dma_wait3A_141 = arith.constant 0 : i32
    %dma_wait3A_142 = tpu.memref_slice %arg4[%dma_wait3A_140, %dma_wait3A_141] : memref<204800x128xf32, #tpu.memory_space<hbm>> -> memref<128x128xf32, #tpu.memory_space<hbm>>
    tpu.wait_dma2 semaphore(%arg12 : memref<!tpu.dma_semaphore, #tpu.memory_space<semaphore_mem>>) src(%arg10 : memref<128x128xf32, #tpu.memory_space<vmem>>) dst(%dma_wait3A_142 : memref<128x128xf32, #tpu.memory_space<hbm>>)
    %dma_start3A_143 = arith.constant 7 : i32
    %dma_start3A_144 = arith.constant 0 : i32
    %dma_start3A_145 = tpu.memref_slice %arg5[%dma_start3A_143, %dma_start3A_144] : memref<50x128xi32, #tpu.memory_space<vmem>> -> memref<1x128xi32, #tpu.memory_space<vmem>>
    %dma_start3A_146 = tpu.memref_squeeze %dma_start3A_145 : memref<1x128xi32, #tpu.memory_space<vmem>> -> memref<128xi32, #tpu.memory_space<vmem>>
    %dma_start3A_147 = arith.constant 0 : i32
    %dma_start3A_148 = arith.constant 0 : i32
    %dma_start3A_149 = tpu.memref_slice %arg3[%dma_start3A_147, %dma_start3A_148] : memref<100000x128xf32, #tpu.memory_space<hbm>> -> memref<100000x128xf32, #tpu.memory_space<hbm>>
    tpu.enqueue_indirect_dma source(%dma_start3A_149 : memref<100000x128xf32, #tpu.memory_space<hbm>>) target(%arg8 : memref<128x128xf32, #tpu.memory_space<vmem>>) offsets(%dma_start3A_146 : memref<128xi32, #tpu.memory_space<vmem>>) semaphore(%arg11 : memref<!tpu.dma_semaphore, #tpu.memory_space<semaphore_mem>>)
    %scan3A = arith.constant 0 : i32
    %scan3A_150 = arith.constant 1 : i32
    %scan3A_151 = arith.constant 8 : i32
    %scan3A_152 = arith.addi %scan3A_150, %scan3A_151 : i32
    %scan3A_153 = arith.constant 1 : i32
    %scan3A_154 = scf.for %scan3A_287 = %scan3A_150 to %scan3A_152 step %scan3A_153 iter_args(%scan3A_288 = %scan3A) -> (i32)  : i32 {
      %mul3A_289 = arith.constant 5 : i32
      %mul3A_290 = arith.muli %mul3A_289, %scan3A_287 : i32
      %add3A_291 = arith.constant 0 : i32
      %add3A_292 = arith.addi %mul3A_290, %add3A_291 : i32
      %sub3A = arith.constant 2 : i32
      %sub3A_293 = arith.subi %add3A_292, %sub3A : i32
      %add3A_294 = arith.constant 5 : i32
      %add3A_295 = arith.addi %sub3A_293, %add3A_294 : i32
      %dma_wait3A_296 = arith.constant 0 : i32
      %dma_wait3A_297 = tpu.memref_slice %arg5[%add3A_292, %dma_wait3A_296] : memref<50x128xi32, #tpu.memory_space<vmem>> -> memref<1x128xi32, #tpu.memory_space<vmem>>
      %dma_wait3A_298 = tpu.memref_squeeze %dma_wait3A_297 : memref<1x128xi32, #tpu.memory_space<vmem>> -> memref<128xi32, #tpu.memory_space<vmem>>
      %dma_wait3A_299 = arith.constant 0 : i32
      %dma_wait3A_300 = arith.constant 0 : i32
      %dma_wait3A_301 = tpu.memref_slice %arg3[%dma_wait3A_299, %dma_wait3A_300] : memref<100000x128xf32, #tpu.memory_space<hbm>> -> memref<100000x128xf32, #tpu.memory_space<hbm>>
      tpu.wait_indirect_dma semaphore(%arg11 : memref<!tpu.dma_semaphore, #tpu.memory_space<semaphore_mem>>) src(%dma_wait3A_301 : memref<100000x128xf32, #tpu.memory_space<hbm>>) dst(%arg6 : memref<128x128xf32, #tpu.memory_space<vmem>>)
      %mul3A_302 = arith.constant 4096 : i32
      %mul3A_303 = arith.muli %add3A_292, %mul3A_302 : i32
      %mul3A_304 = arith.constant 128 : i32
      %mul3A_305 = arith.muli %add3A, %mul3A_304 : i32
      %add3A_306 = arith.addi %mul3A_303, %mul3A_305 : i32
      %dma_start3A_307 = arith.constant 0 : i32
      %dma_start3A_308 = tpu.memref_slice %arg4[%add3A_306, %dma_start3A_307] : memref<204800x128xf32, #tpu.memory_space<hbm>> -> memref<128x128xf32, #tpu.memory_space<hbm>>
      %dma_start3A_309 = arith.constant 0 : i32
      %dma_start3A_310 = tpu.memref_slice %arg4[%add3A_306, %dma_start3A_309] : memref<204800x128xf32, #tpu.memory_space<hbm>> -> memref<128x128xf32, #tpu.memory_space<hbm>>
      tpu.enqueue_dma source(%arg6 : memref<128x128xf32, #tpu.memory_space<vmem>>) target(%dma_start3A_310 : memref<128x128xf32, #tpu.memory_space<hbm>>) target_semaphore(%arg12 : memref<!tpu.dma_semaphore, #tpu.memory_space<semaphore_mem>>)
      %dma_wait3A_311 = arith.constant 0 : i32
      %dma_wait3A_312 = arith.constant 0 : i32
      %dma_wait3A_313 = tpu.memref_slice %arg4[%dma_wait3A_311, %dma_wait3A_312] : memref<204800x128xf32, #tpu.memory_space<hbm>> -> memref<128x128xf32, #tpu.memory_space<hbm>>
      %dma_wait3A_314 = arith.constant 0 : i32
      %dma_wait3A_315 = arith.constant 0 : i32
      %dma_wait3A_316 = tpu.memref_slice %arg4[%dma_wait3A_314, %dma_wait3A_315] : memref<204800x128xf32, #tpu.memory_space<hbm>> -> memref<128x128xf32, #tpu.memory_space<hbm>>
      tpu.wait_dma2 semaphore(%arg12 : memref<!tpu.dma_semaphore, #tpu.memory_space<semaphore_mem>>) src(%arg6 : memref<128x128xf32, #tpu.memory_space<vmem>>) dst(%dma_wait3A_316 : memref<128x128xf32, #tpu.memory_space<hbm>>)
      %dma_start3A_317 = arith.constant 0 : i32
      %dma_start3A_318 = tpu.memref_slice %arg5[%add3A_295, %dma_start3A_317] : memref<50x128xi32, #tpu.memory_space<vmem>> -> memref<1x128xi32, #tpu.memory_space<vmem>>
      %dma_start3A_319 = tpu.memref_squeeze %dma_start3A_318 : memref<1x128xi32, #tpu.memory_space<vmem>> -> memref<128xi32, #tpu.memory_space<vmem>>
      %dma_start3A_320 = arith.constant 0 : i32
      %dma_start3A_321 = arith.constant 0 : i32
      %dma_start3A_322 = tpu.memref_slice %arg3[%dma_start3A_320, %dma_start3A_321] : memref<100000x128xf32, #tpu.memory_space<hbm>> -> memref<100000x128xf32, #tpu.memory_space<hbm>>
      tpu.enqueue_indirect_dma source(%dma_start3A_322 : memref<100000x128xf32, #tpu.memory_space<hbm>>) target(%arg9 : memref<128x128xf32, #tpu.memory_space<vmem>>) offsets(%dma_start3A_319 : memref<128xi32, #tpu.memory_space<vmem>>) semaphore(%arg11 : memref<!tpu.dma_semaphore, #tpu.memory_space<semaphore_mem>>)
      %mul3A_323 = arith.constant 5 : i32
      %mul3A_324 = arith.muli %mul3A_323, %scan3A_287 : i32
      %add3A_325 = arith.constant 1 : i32
      %add3A_326 = arith.addi %mul3A_324, %add3A_325 : i32
      %sub3A_327 = arith.constant 2 : i32
      %sub3A_328 = arith.subi %add3A_326, %sub3A_327 : i32
      %add3A_329 = arith.constant 5 : i32
      %add3A_330 = arith.addi %sub3A_328, %add3A_329 : i32
      %dma_wait3A_331 = arith.constant 0 : i32
      %dma_wait3A_332 = tpu.memref_slice %arg5[%add3A_326, %dma_wait3A_331] : memref<50x128xi32, #tpu.memory_space<vmem>> -> memref<1x128xi32, #tpu.memory_space<vmem>>
      %dma_wait3A_333 = tpu.memref_squeeze %dma_wait3A_332 : memref<1x128xi32, #tpu.memory_space<vmem>> -> memref<128xi32, #tpu.memory_space<vmem>>
      %dma_wait3A_334 = arith.constant 0 : i32
      %dma_wait3A_335 = arith.constant 0 : i32
      %dma_wait3A_336 = tpu.memref_slice %arg3[%dma_wait3A_334, %dma_wait3A_335] : memref<100000x128xf32, #tpu.memory_space<hbm>> -> memref<100000x128xf32, #tpu.memory_space<hbm>>
      tpu.wait_indirect_dma semaphore(%arg11 : memref<!tpu.dma_semaphore, #tpu.memory_space<semaphore_mem>>) src(%dma_wait3A_336 : memref<100000x128xf32, #tpu.memory_space<hbm>>) dst(%arg7 : memref<128x128xf32, #tpu.memory_space<vmem>>)
      %mul3A_337 = arith.constant 4096 : i32
      %mul3A_338 = arith.muli %add3A_326, %mul3A_337 : i32
      %mul3A_339 = arith.constant 128 : i32
      %mul3A_340 = arith.muli %add3A, %mul3A_339 : i32
      %add3A_341 = arith.addi %mul3A_338, %mul3A_340 : i32
      %dma_start3A_342 = arith.constant 0 : i32
      %dma_start3A_343 = tpu.memref_slice %arg4[%add3A_341, %dma_start3A_342] : memref<204800x128xf32, #tpu.memory_space<hbm>> -> memref<128x128xf32, #tpu.memory_space<hbm>>
      %dma_start3A_344 = arith.constant 0 : i32
      %dma_start3A_345 = tpu.memref_slice %arg4[%add3A_341, %dma_start3A_344] : memref<204800x128xf32, #tpu.memory_space<hbm>> -> memref<128x128xf32, #tpu.memory_space<hbm>>
      tpu.enqueue_dma source(%arg7 : memref<128x128xf32, #tpu.memory_space<vmem>>) target(%dma_start3A_345 : memref<128x128xf32, #tpu.memory_space<hbm>>) target_semaphore(%arg12 : memref<!tpu.dma_semaphore, #tpu.memory_space<semaphore_mem>>)
      %dma_wait3A_346 = arith.constant 0 : i32
      %dma_wait3A_347 = arith.constant 0 : i32
      %dma_wait3A_348 = tpu.memref_slice %arg4[%dma_wait3A_346, %dma_wait3A_347] : memref<204800x128xf32, #tpu.memory_space<hbm>> -> memref<128x128xf32, #tpu.memory_space<hbm>>
      %dma_wait3A_349 = arith.constant 0 : i32
      %dma_wait3A_350 = arith.constant 0 : i32
      %dma_wait3A_351 = tpu.memref_slice %arg4[%dma_wait3A_349, %dma_wait3A_350] : memref<204800x128xf32, #tpu.memory_space<hbm>> -> memref<128x128xf32, #tpu.memory_space<hbm>>
      tpu.wait_dma2 semaphore(%arg12 : memref<!tpu.dma_semaphore, #tpu.memory_space<semaphore_mem>>) src(%arg7 : memref<128x128xf32, #tpu.memory_space<vmem>>) dst(%dma_wait3A_351 : memref<128x128xf32, #tpu.memory_space<hbm>>)
      %dma_start3A_352 = arith.constant 0 : i32
      %dma_start3A_353 = tpu.memref_slice %arg5[%add3A_330, %dma_start3A_352] : memref<50x128xi32, #tpu.memory_space<vmem>> -> memref<1x128xi32, #tpu.memory_space<vmem>>
      %dma_start3A_354 = tpu.memref_squeeze %dma_start3A_353 : memref<1x128xi32, #tpu.memory_space<vmem>> -> memref<128xi32, #tpu.memory_space<vmem>>
      %dma_start3A_355 = arith.constant 0 : i32
      %dma_start3A_356 = arith.constant 0 : i32
      %dma_start3A_357 = tpu.memref_slice %arg3[%dma_start3A_355, %dma_start3A_356] : memref<100000x128xf32, #tpu.memory_space<hbm>> -> memref<100000x128xf32, #tpu.memory_space<hbm>>
      tpu.enqueue_indirect_dma source(%dma_start3A_357 : memref<100000x128xf32, #tpu.memory_space<hbm>>) target(%arg10 : memref<128x128xf32, #tpu.memory_space<vmem>>) offsets(%dma_start3A_354 : memref<128xi32, #tpu.memory_space<vmem>>) semaphore(%arg11 : memref<!tpu.dma_semaphore, #tpu.memory_space<semaphore_mem>>)
      %mul3A_358 = arith.constant 5 : i32
      %mul3A_359 = arith.muli %mul3A_358, %scan3A_287 : i32
      %add3A_360 = arith.constant 2 : i32
      %add3A_361 = arith.addi %mul3A_359, %add3A_360 : i32
      %sub3A_362 = arith.constant 2 : i32
      %sub3A_363 = arith.subi %add3A_361, %sub3A_362 : i32
      %add3A_364 = arith.constant 5 : i32
      %add3A_365 = arith.addi %sub3A_363, %add3A_364 : i32
      %dma_wait3A_366 = arith.constant 0 : i32
      %dma_wait3A_367 = tpu.memref_slice %arg5[%add3A_361, %dma_wait3A_366] : memref<50x128xi32, #tpu.memory_space<vmem>> -> memref<1x128xi32, #tpu.memory_space<vmem>>
      %dma_wait3A_368 = tpu.memref_squeeze %dma_wait3A_367 : memref<1x128xi32, #tpu.memory_space<vmem>> -> memref<128xi32, #tpu.memory_space<vmem>>
      %dma_wait3A_369 = arith.constant 0 : i32
      %dma_wait3A_370 = arith.constant 0 : i32
      %dma_wait3A_371 = tpu.memref_slice %arg3[%dma_wait3A_369, %dma_wait3A_370] : memref<100000x128xf32, #tpu.memory_space<hbm>> -> memref<100000x128xf32, #tpu.memory_space<hbm>>
      tpu.wait_indirect_dma semaphore(%arg11 : memref<!tpu.dma_semaphore, #tpu.memory_space<semaphore_mem>>) src(%dma_wait3A_371 : memref<100000x128xf32, #tpu.memory_space<hbm>>) dst(%arg8 : memref<128x128xf32, #tpu.memory_space<vmem>>)
      %mul3A_372 = arith.constant 4096 : i32
      %mul3A_373 = arith.muli %add3A_361, %mul3A_372 : i32
      %mul3A_374 = arith.constant 128 : i32
      %mul3A_375 = arith.muli %add3A, %mul3A_374 : i32
      %add3A_376 = arith.addi %mul3A_373, %mul3A_375 : i32
      %dma_start3A_377 = arith.constant 0 : i32
      %dma_start3A_378 = tpu.memref_slice %arg4[%add3A_376, %dma_start3A_377] : memref<204800x128xf32, #tpu.memory_space<hbm>> -> memref<128x128xf32, #tpu.memory_space<hbm>>
      %dma_start3A_379 = arith.constant 0 : i32
      %dma_start3A_380 = tpu.memref_slice %arg4[%add3A_376, %dma_start3A_379] : memref<204800x128xf32, #tpu.memory_space<hbm>> -> memref<128x128xf32, #tpu.memory_space<hbm>>
      tpu.enqueue_dma source(%arg8 : memref<128x128xf32, #tpu.memory_space<vmem>>) target(%dma_start3A_380 : memref<128x128xf32, #tpu.memory_space<hbm>>) target_semaphore(%arg12 : memref<!tpu.dma_semaphore, #tpu.memory_space<semaphore_mem>>)
      %dma_wait3A_381 = arith.constant 0 : i32
      %dma_wait3A_382 = arith.constant 0 : i32
      %dma_wait3A_383 = tpu.memref_slice %arg4[%dma_wait3A_381, %dma_wait3A_382] : memref<204800x128xf32, #tpu.memory_space<hbm>> -> memref<128x128xf32, #tpu.memory_space<hbm>>
      %dma_wait3A_384 = arith.constant 0 : i32
      %dma_wait3A_385 = arith.constant 0 : i32
      %dma_wait3A_386 = tpu.memref_slice %arg4[%dma_wait3A_384, %dma_wait3A_385] : memref<204800x128xf32, #tpu.memory_space<hbm>> -> memref<128x128xf32, #tpu.memory_space<hbm>>
      tpu.wait_dma2 semaphore(%arg12 : memref<!tpu.dma_semaphore, #tpu.memory_space<semaphore_mem>>) src(%arg8 : memref<128x128xf32, #tpu.memory_space<vmem>>) dst(%dma_wait3A_386 : memref<128x128xf32, #tpu.memory_space<hbm>>)
      %dma_start3A_387 = arith.constant 0 : i32
      %dma_start3A_388 = tpu.memref_slice %arg5[%add3A_365, %dma_start3A_387] : memref<50x128xi32, #tpu.memory_space<vmem>> -> memref<1x128xi32, #tpu.memory_space<vmem>>
      %dma_start3A_389 = tpu.memref_squeeze %dma_start3A_388 : memref<1x128xi32, #tpu.memory_space<vmem>> -> memref<128xi32, #tpu.memory_space<vmem>>
      %dma_start3A_390 = arith.constant 0 : i32
      %dma_start3A_391 = arith.constant 0 : i32
      %dma_start3A_392 = tpu.memref_slice %arg3[%dma_start3A_390, %dma_start3A_391] : memref<100000x128xf32, #tpu.memory_space<hbm>> -> memref<100000x128xf32, #tpu.memory_space<hbm>>
      tpu.enqueue_indirect_dma source(%dma_start3A_392 : memref<100000x128xf32, #tpu.memory_space<hbm>>) target(%arg6 : memref<128x128xf32, #tpu.memory_space<vmem>>) offsets(%dma_start3A_389 : memref<128xi32, #tpu.memory_space<vmem>>) semaphore(%arg11 : memref<!tpu.dma_semaphore, #tpu.memory_space<semaphore_mem>>)
      %mul3A_393 = arith.constant 5 : i32
      %mul3A_394 = arith.muli %mul3A_393, %scan3A_287 : i32
      %add3A_395 = arith.constant 3 : i32
      %add3A_396 = arith.addi %mul3A_394, %add3A_395 : i32
      %sub3A_397 = arith.constant 2 : i32
      %sub3A_398 = arith.subi %add3A_396, %sub3A_397 : i32
      %add3A_399 = arith.constant 5 : i32
      %add3A_400 = arith.addi %sub3A_398, %add3A_399 : i32
      %dma_wait3A_401 = arith.constant 0 : i32
      %dma_wait3A_402 = tpu.memref_slice %arg5[%add3A_396, %dma_wait3A_401] : memref<50x128xi32, #tpu.memory_space<vmem>> -> memref<1x128xi32, #tpu.memory_space<vmem>>
      %dma_wait3A_403 = tpu.memref_squeeze %dma_wait3A_402 : memref<1x128xi32, #tpu.memory_space<vmem>> -> memref<128xi32, #tpu.memory_space<vmem>>
      %dma_wait3A_404 = arith.constant 0 : i32
      %dma_wait3A_405 = arith.constant 0 : i32
      %dma_wait3A_406 = tpu.memref_slice %arg3[%dma_wait3A_404, %dma_wait3A_405] : memref<100000x128xf32, #tpu.memory_space<hbm>> -> memref<100000x128xf32, #tpu.memory_space<hbm>>
      tpu.wait_indirect_dma semaphore(%arg11 : memref<!tpu.dma_semaphore, #tpu.memory_space<semaphore_mem>>) src(%dma_wait3A_406 : memref<100000x128xf32, #tpu.memory_space<hbm>>) dst(%arg9 : memref<128x128xf32, #tpu.memory_space<vmem>>)
      %mul3A_407 = arith.constant 4096 : i32
      %mul3A_408 = arith.muli %add3A_396, %mul3A_407 : i32
      %mul3A_409 = arith.constant 128 : i32
      %mul3A_410 = arith.muli %add3A, %mul3A_409 : i32
      %add3A_411 = arith.addi %mul3A_408, %mul3A_410 : i32
      %dma_start3A_412 = arith.constant 0 : i32
      %dma_start3A_413 = tpu.memref_slice %arg4[%add3A_411, %dma_start3A_412] : memref<204800x128xf32, #tpu.memory_space<hbm>> -> memref<128x128xf32, #tpu.memory_space<hbm>>
      %dma_start3A_414 = arith.constant 0 : i32
      %dma_start3A_415 = tpu.memref_slice %arg4[%add3A_411, %dma_start3A_414] : memref<204800x128xf32, #tpu.memory_space<hbm>> -> memref<128x128xf32, #tpu.memory_space<hbm>>
      tpu.enqueue_dma source(%arg9 : memref<128x128xf32, #tpu.memory_space<vmem>>) target(%dma_start3A_415 : memref<128x128xf32, #tpu.memory_space<hbm>>) target_semaphore(%arg12 : memref<!tpu.dma_semaphore, #tpu.memory_space<semaphore_mem>>)
      %dma_wait3A_416 = arith.constant 0 : i32
      %dma_wait3A_417 = arith.constant 0 : i32
      %dma_wait3A_418 = tpu.memref_slice %arg4[%dma_wait3A_416, %dma_wait3A_417] : memref<204800x128xf32, #tpu.memory_space<hbm>> -> memref<128x128xf32, #tpu.memory_space<hbm>>
      %dma_wait3A_419 = arith.constant 0 : i32
      %dma_wait3A_420 = arith.constant 0 : i32
      %dma_wait3A_421 = tpu.memref_slice %arg4[%dma_wait3A_419, %dma_wait3A_420] : memref<204800x128xf32, #tpu.memory_space<hbm>> -> memref<128x128xf32, #tpu.memory_space<hbm>>
      tpu.wait_dma2 semaphore(%arg12 : memref<!tpu.dma_semaphore, #tpu.memory_space<semaphore_mem>>) src(%arg9 : memref<128x128xf32, #tpu.memory_space<vmem>>) dst(%dma_wait3A_421 : memref<128x128xf32, #tpu.memory_space<hbm>>)
      %dma_start3A_422 = arith.constant 0 : i32
      %dma_start3A_423 = tpu.memref_slice %arg5[%add3A_400, %dma_start3A_422] : memref<50x128xi32, #tpu.memory_space<vmem>> -> memref<1x128xi32, #tpu.memory_space<vmem>>
      %dma_start3A_424 = tpu.memref_squeeze %dma_start3A_423 : memref<1x128xi32, #tpu.memory_space<vmem>> -> memref<128xi32, #tpu.memory_space<vmem>>
      %dma_start3A_425 = arith.constant 0 : i32
      %dma_start3A_426 = arith.constant 0 : i32
      %dma_start3A_427 = tpu.memref_slice %arg3[%dma_start3A_425, %dma_start3A_426] : memref<100000x128xf32, #tpu.memory_space<hbm>> -> memref<100000x128xf32, #tpu.memory_space<hbm>>
      tpu.enqueue_indirect_dma source(%dma_start3A_427 : memref<100000x128xf32, #tpu.memory_space<hbm>>) target(%arg7 : memref<128x128xf32, #tpu.memory_space<vmem>>) offsets(%dma_start3A_424 : memref<128xi32, #tpu.memory_space<vmem>>) semaphore(%arg11 : memref<!tpu.dma_semaphore, #tpu.memory_space<semaphore_mem>>)
      %mul3A_428 = arith.constant 5 : i32
      %mul3A_429 = arith.muli %mul3A_428, %scan3A_287 : i32
      %add3A_430 = arith.constant 4 : i32
      %add3A_431 = arith.addi %mul3A_429, %add3A_430 : i32
      %sub3A_432 = arith.constant 2 : i32
      %sub3A_433 = arith.subi %add3A_431, %sub3A_432 : i32
      %add3A_434 = arith.constant 5 : i32
      %add3A_435 = arith.addi %sub3A_433, %add3A_434 : i32
      %dma_wait3A_436 = arith.constant 0 : i32
      %dma_wait3A_437 = tpu.memref_slice %arg5[%add3A_431, %dma_wait3A_436] : memref<50x128xi32, #tpu.memory_space<vmem>> -> memref<1x128xi32, #tpu.memory_space<vmem>>
      %dma_wait3A_438 = tpu.memref_squeeze %dma_wait3A_437 : memref<1x128xi32, #tpu.memory_space<vmem>> -> memref<128xi32, #tpu.memory_space<vmem>>
      %dma_wait3A_439 = arith.constant 0 : i32
      %dma_wait3A_440 = arith.constant 0 : i32
      %dma_wait3A_441 = tpu.memref_slice %arg3[%dma_wait3A_439, %dma_wait3A_440] : memref<100000x128xf32, #tpu.memory_space<hbm>> -> memref<100000x128xf32, #tpu.memory_space<hbm>>
      tpu.wait_indirect_dma semaphore(%arg11 : memref<!tpu.dma_semaphore, #tpu.memory_space<semaphore_mem>>) src(%dma_wait3A_441 : memref<100000x128xf32, #tpu.memory_space<hbm>>) dst(%arg10 : memref<128x128xf32, #tpu.memory_space<vmem>>)
      %mul3A_442 = arith.constant 4096 : i32
      %mul3A_443 = arith.muli %add3A_431, %mul3A_442 : i32
      %mul3A_444 = arith.constant 128 : i32
      %mul3A_445 = arith.muli %add3A, %mul3A_444 : i32
      %add3A_446 = arith.addi %mul3A_443, %mul3A_445 : i32
      %dma_start3A_447 = arith.constant 0 : i32
      %dma_start3A_448 = tpu.memref_slice %arg4[%add3A_446, %dma_start3A_447] : memref<204800x128xf32, #tpu.memory_space<hbm>> -> memref<128x128xf32, #tpu.memory_space<hbm>>
      %dma_start3A_449 = arith.constant 0 : i32
      %dma_start3A_450 = tpu.memref_slice %arg4[%add3A_446, %dma_start3A_449] : memref<204800x128xf32, #tpu.memory_space<hbm>> -> memref<128x128xf32, #tpu.memory_space<hbm>>
      tpu.enqueue_dma source(%arg10 : memref<128x128xf32, #tpu.memory_space<vmem>>) target(%dma_start3A_450 : memref<128x128xf32, #tpu.memory_space<hbm>>) target_semaphore(%arg12 : memref<!tpu.dma_semaphore, #tpu.memory_space<semaphore_mem>>)
      %dma_wait3A_451 = arith.constant 0 : i32
      %dma_wait3A_452 = arith.constant 0 : i32
      %dma_wait3A_453 = tpu.memref_slice %arg4[%dma_wait3A_451, %dma_wait3A_452] : memref<204800x128xf32, #tpu.memory_space<hbm>> -> memref<128x128xf32, #tpu.memory_space<hbm>>
      %dma_wait3A_454 = arith.constant 0 : i32
      %dma_wait3A_455 = arith.constant 0 : i32
      %dma_wait3A_456 = tpu.memref_slice %arg4[%dma_wait3A_454, %dma_wait3A_455] : memref<204800x128xf32, #tpu.memory_space<hbm>> -> memref<128x128xf32, #tpu.memory_space<hbm>>
      tpu.wait_dma2 semaphore(%arg12 : memref<!tpu.dma_semaphore, #tpu.memory_space<semaphore_mem>>) src(%arg10 : memref<128x128xf32, #tpu.memory_space<vmem>>) dst(%dma_wait3A_456 : memref<128x128xf32, #tpu.memory_space<hbm>>)
      %dma_start3A_457 = arith.constant 0 : i32
      %dma_start3A_458 = tpu.memref_slice %arg5[%add3A_435, %dma_start3A_457] : memref<50x128xi32, #tpu.memory_space<vmem>> -> memref<1x128xi32, #tpu.memory_space<vmem>>
      %dma_start3A_459 = tpu.memref_squeeze %dma_start3A_458 : memref<1x128xi32, #tpu.memory_space<vmem>> -> memref<128xi32, #tpu.memory_space<vmem>>
      %dma_start3A_460 = arith.constant 0 : i32
      %dma_start3A_461 = arith.constant 0 : i32
      %dma_start3A_462 = tpu.memref_slice %arg3[%dma_start3A_460, %dma_start3A_461] : memref<100000x128xf32, #tpu.memory_space<hbm>> -> memref<100000x128xf32, #tpu.memory_space<hbm>>
      tpu.enqueue_indirect_dma source(%dma_start3A_462 : memref<100000x128xf32, #tpu.memory_space<hbm>>) target(%arg8 : memref<128x128xf32, #tpu.memory_space<vmem>>) offsets(%dma_start3A_459 : memref<128xi32, #tpu.memory_space<vmem>>) semaphore(%arg11 : memref<!tpu.dma_semaphore, #tpu.memory_space<semaphore_mem>>)
      %scan3A_463 = arith.constant 0 : i32
      scf.yield %scan3A_463 : i32
    }
    %scan3A_155 = arith.constant 8 : i32
    %dma_wait3A_156 = arith.constant 45 : i32
    %dma_wait3A_157 = arith.constant 0 : i32
    %dma_wait3A_158 = tpu.memref_slice %arg5[%dma_wait3A_156, %dma_wait3A_157] : memref<50x128xi32, #tpu.memory_space<vmem>> -> memref<1x128xi32, #tpu.memory_space<vmem>>
    %dma_wait3A_159 = tpu.memref_squeeze %dma_wait3A_158 : memref<1x128xi32, #tpu.memory_space<vmem>> -> memref<128xi32, #tpu.memory_space<vmem>>
    %dma_wait3A_160 = arith.constant 0 : i32
    %dma_wait3A_161 = arith.constant 0 : i32
    %dma_wait3A_162 = tpu.memref_slice %arg3[%dma_wait3A_160, %dma_wait3A_161] : memref<100000x128xf32, #tpu.memory_space<hbm>> -> memref<100000x128xf32, #tpu.memory_space<hbm>>
    tpu.wait_indirect_dma semaphore(%arg11 : memref<!tpu.dma_semaphore, #tpu.memory_space<semaphore_mem>>) src(%dma_wait3A_162 : memref<100000x128xf32, #tpu.memory_space<hbm>>) dst(%arg6 : memref<128x128xf32, #tpu.memory_space<vmem>>)
    %mul3A_163 = arith.constant 128 : i32
    %mul3A_164 = arith.muli %add3A, %mul3A_163 : i32
    %add3A_165 = arith.constant 184320 : i32
    %add3A_166 = arith.addi %add3A_165, %mul3A_164 : i32
    %dma_start3A_167 = arith.constant 0 : i32
    %dma_start3A_168 = tpu.memref_slice %arg4[%add3A_166, %dma_start3A_167] : memref<204800x128xf32, #tpu.memory_space<hbm>> -> memref<128x128xf32, #tpu.memory_space<hbm>>
    %dma_start3A_169 = arith.constant 0 : i32
    %dma_start3A_170 = tpu.memref_slice %arg4[%add3A_166, %dma_start3A_169] : memref<204800x128xf32, #tpu.memory_space<hbm>> -> memref<128x128xf32, #tpu.memory_space<hbm>>
    tpu.enqueue_dma source(%arg6 : memref<128x128xf32, #tpu.memory_space<vmem>>) target(%dma_start3A_170 : memref<128x128xf32, #tpu.memory_space<hbm>>) target_semaphore(%arg12 : memref<!tpu.dma_semaphore, #tpu.memory_space<semaphore_mem>>)
    %dma_wait3A_171 = arith.constant 0 : i32
    %dma_wait3A_172 = arith.constant 0 : i32
    %dma_wait3A_173 = tpu.memref_slice %arg4[%dma_wait3A_171, %dma_wait3A_172] : memref<204800x128xf32, #tpu.memory_space<hbm>> -> memref<128x128xf32, #tpu.memory_space<hbm>>
    %dma_wait3A_174 = arith.constant 0 : i32
    %dma_wait3A_175 = arith.constant 0 : i32
    %dma_wait3A_176 = tpu.memref_slice %arg4[%dma_wait3A_174, %dma_wait3A_175] : memref<204800x128xf32, #tpu.memory_space<hbm>> -> memref<128x128xf32, #tpu.memory_space<hbm>>
    tpu.wait_dma2 semaphore(%arg12 : memref<!tpu.dma_semaphore, #tpu.memory_space<semaphore_mem>>) src(%arg6 : memref<128x128xf32, #tpu.memory_space<vmem>>) dst(%dma_wait3A_176 : memref<128x128xf32, #tpu.memory_space<hbm>>)
    %dma_start3A_177 = arith.constant 48 : i32
    %dma_start3A_178 = arith.constant 0 : i32
    %dma_start3A_179 = tpu.memref_slice %arg5[%dma_start3A_177, %dma_start3A_178] : memref<50x128xi32, #tpu.memory_space<vmem>> -> memref<1x128xi32, #tpu.memory_space<vmem>>
    %dma_start3A_180 = tpu.memref_squeeze %dma_start3A_179 : memref<1x128xi32, #tpu.memory_space<vmem>> -> memref<128xi32, #tpu.memory_space<vmem>>
    %dma_start3A_181 = arith.constant 0 : i32
    %dma_start3A_182 = arith.constant 0 : i32
    %dma_start3A_183 = tpu.memref_slice %arg3[%dma_start3A_181, %dma_start3A_182] : memref<100000x128xf32, #tpu.memory_space<hbm>> -> memref<100000x128xf32, #tpu.memory_space<hbm>>
    tpu.enqueue_indirect_dma source(%dma_start3A_183 : memref<100000x128xf32, #tpu.memory_space<hbm>>) target(%arg9 : memref<128x128xf32, #tpu.memory_space<vmem>>) offsets(%dma_start3A_180 : memref<128xi32, #tpu.memory_space<vmem>>) semaphore(%arg11 : memref<!tpu.dma_semaphore, #tpu.memory_space<semaphore_mem>>)
    %dma_wait3A_184 = arith.constant 46 : i32
    %dma_wait3A_185 = arith.constant 0 : i32
    %dma_wait3A_186 = tpu.memref_slice %arg5[%dma_wait3A_184, %dma_wait3A_185] : memref<50x128xi32, #tpu.memory_space<vmem>> -> memref<1x128xi32, #tpu.memory_space<vmem>>
    %dma_wait3A_187 = tpu.memref_squeeze %dma_wait3A_186 : memref<1x128xi32, #tpu.memory_space<vmem>> -> memref<128xi32, #tpu.memory_space<vmem>>
    %dma_wait3A_188 = arith.constant 0 : i32
    %dma_wait3A_189 = arith.constant 0 : i32
    %dma_wait3A_190 = tpu.memref_slice %arg3[%dma_wait3A_188, %dma_wait3A_189] : memref<100000x128xf32, #tpu.memory_space<hbm>> -> memref<100000x128xf32, #tpu.memory_space<hbm>>
    tpu.wait_indirect_dma semaphore(%arg11 : memref<!tpu.dma_semaphore, #tpu.memory_space<semaphore_mem>>) src(%dma_wait3A_190 : memref<100000x128xf32, #tpu.memory_space<hbm>>) dst(%arg7 : memref<128x128xf32, #tpu.memory_space<vmem>>)
    %mul3A_191 = arith.constant 128 : i32
    %mul3A_192 = arith.muli %add3A, %mul3A_191 : i32
    %add3A_193 = arith.constant 188416 : i32
    %add3A_194 = arith.addi %add3A_193, %mul3A_192 : i32
    %dma_start3A_195 = arith.constant 0 : i32
    %dma_start3A_196 = tpu.memref_slice %arg4[%add3A_194, %dma_start3A_195] : memref<204800x128xf32, #tpu.memory_space<hbm>> -> memref<128x128xf32, #tpu.memory_space<hbm>>
    %dma_start3A_197 = arith.constant 0 : i32
    %dma_start3A_198 = tpu.memref_slice %arg4[%add3A_194, %dma_start3A_197] : memref<204800x128xf32, #tpu.memory_space<hbm>> -> memref<128x128xf32, #tpu.memory_space<hbm>>
    tpu.enqueue_dma source(%arg7 : memref<128x128xf32, #tpu.memory_space<vmem>>) target(%dma_start3A_198 : memref<128x128xf32, #tpu.memory_space<hbm>>) target_semaphore(%arg12 : memref<!tpu.dma_semaphore, #tpu.memory_space<semaphore_mem>>)
    %dma_wait3A_199 = arith.constant 0 : i32
    %dma_wait3A_200 = arith.constant 0 : i32
    %dma_wait3A_201 = tpu.memref_slice %arg4[%dma_wait3A_199, %dma_wait3A_200] : memref<204800x128xf32, #tpu.memory_space<hbm>> -> memref<128x128xf32, #tpu.memory_space<hbm>>
    %dma_wait3A_202 = arith.constant 0 : i32
    %dma_wait3A_203 = arith.constant 0 : i32
    %dma_wait3A_204 = tpu.memref_slice %arg4[%dma_wait3A_202, %dma_wait3A_203] : memref<204800x128xf32, #tpu.memory_space<hbm>> -> memref<128x128xf32, #tpu.memory_space<hbm>>
    tpu.wait_dma2 semaphore(%arg12 : memref<!tpu.dma_semaphore, #tpu.memory_space<semaphore_mem>>) src(%arg7 : memref<128x128xf32, #tpu.memory_space<vmem>>) dst(%dma_wait3A_204 : memref<128x128xf32, #tpu.memory_space<hbm>>)
    %dma_start3A_205 = arith.constant 49 : i32
    %dma_start3A_206 = arith.constant 0 : i32
    %dma_start3A_207 = tpu.memref_slice %arg5[%dma_start3A_205, %dma_start3A_206] : memref<50x128xi32, #tpu.memory_space<vmem>> -> memref<1x128xi32, #tpu.memory_space<vmem>>
    %dma_start3A_208 = tpu.memref_squeeze %dma_start3A_207 : memref<1x128xi32, #tpu.memory_space<vmem>> -> memref<128xi32, #tpu.memory_space<vmem>>
    %dma_start3A_209 = arith.constant 0 : i32
    %dma_start3A_210 = arith.constant 0 : i32
    %dma_start3A_211 = tpu.memref_slice %arg3[%dma_start3A_209, %dma_start3A_210] : memref<100000x128xf32, #tpu.memory_space<hbm>> -> memref<100000x128xf32, #tpu.memory_space<hbm>>
    tpu.enqueue_indirect_dma source(%dma_start3A_211 : memref<100000x128xf32, #tpu.memory_space<hbm>>) target(%arg10 : memref<128x128xf32, #tpu.memory_space<vmem>>) offsets(%dma_start3A_208 : memref<128xi32, #tpu.memory_space<vmem>>) semaphore(%arg11 : memref<!tpu.dma_semaphore, #tpu.memory_space<semaphore_mem>>)
    %dma_wait3A_212 = arith.constant 47 : i32
    %dma_wait3A_213 = arith.constant 0 : i32
    %dma_wait3A_214 = tpu.memref_slice %arg5[%dma_wait3A_212, %dma_wait3A_213] : memref<50x128xi32, #tpu.memory_space<vmem>> -> memref<1x128xi32, #tpu.memory_space<vmem>>
    %dma_wait3A_215 = tpu.memref_squeeze %dma_wait3A_214 : memref<1x128xi32, #tpu.memory_space<vmem>> -> memref<128xi32, #tpu.memory_space<vmem>>
    %dma_wait3A_216 = arith.constant 0 : i32
    %dma_wait3A_217 = arith.constant 0 : i32
    %dma_wait3A_218 = tpu.memref_slice %arg3[%dma_wait3A_216, %dma_wait3A_217] : memref<100000x128xf32, #tpu.memory_space<hbm>> -> memref<100000x128xf32, #tpu.memory_space<hbm>>
    tpu.wait_indirect_dma semaphore(%arg11 : memref<!tpu.dma_semaphore, #tpu.memory_space<semaphore_mem>>) src(%dma_wait3A_218 : memref<100000x128xf32, #tpu.memory_space<hbm>>) dst(%arg8 : memref<128x128xf32, #tpu.memory_space<vmem>>)
    %mul3A_219 = arith.constant 128 : i32
    %mul3A_220 = arith.muli %add3A, %mul3A_219 : i32
    %add3A_221 = arith.constant 192512 : i32
    %add3A_222 = arith.addi %add3A_221, %mul3A_220 : i32
    %dma_start3A_223 = arith.constant 0 : i32
    %dma_start3A_224 = tpu.memref_slice %arg4[%add3A_222, %dma_start3A_223] : memref<204800x128xf32, #tpu.memory_space<hbm>> -> memref<128x128xf32, #tpu.memory_space<hbm>>
    %dma_start3A_225 = arith.constant 0 : i32
    %dma_start3A_226 = tpu.memref_slice %arg4[%add3A_222, %dma_start3A_225] : memref<204800x128xf32, #tpu.memory_space<hbm>> -> memref<128x128xf32, #tpu.memory_space<hbm>>
    tpu.enqueue_dma source(%arg8 : memref<128x128xf32, #tpu.memory_space<vmem>>) target(%dma_start3A_226 : memref<128x128xf32, #tpu.memory_space<hbm>>) target_semaphore(%arg12 : memref<!tpu.dma_semaphore, #tpu.memory_space<semaphore_mem>>)
    %dma_wait3A_227 = arith.constant 0 : i32
    %dma_wait3A_228 = arith.constant 0 : i32
    %dma_wait3A_229 = tpu.memref_slice %arg4[%dma_wait3A_227, %dma_wait3A_228] : memref<204800x128xf32, #tpu.memory_space<hbm>> -> memref<128x128xf32, #tpu.memory_space<hbm>>
    %dma_wait3A_230 = arith.constant 0 : i32
    %dma_wait3A_231 = arith.constant 0 : i32
    %dma_wait3A_232 = tpu.memref_slice %arg4[%dma_wait3A_230, %dma_wait3A_231] : memref<204800x128xf32, #tpu.memory_space<hbm>> -> memref<128x128xf32, #tpu.memory_space<hbm>>
    tpu.wait_dma2 semaphore(%arg12 : memref<!tpu.dma_semaphore, #tpu.memory_space<semaphore_mem>>) src(%arg8 : memref<128x128xf32, #tpu.memory_space<vmem>>) dst(%dma_wait3A_232 : memref<128x128xf32, #tpu.memory_space<hbm>>)
    %dma_wait3A_233 = arith.constant 48 : i32
    %dma_wait3A_234 = arith.constant 0 : i32
    %dma_wait3A_235 = tpu.memref_slice %arg5[%dma_wait3A_233, %dma_wait3A_234] : memref<50x128xi32, #tpu.memory_space<vmem>> -> memref<1x128xi32, #tpu.memory_space<vmem>>
    %dma_wait3A_236 = tpu.memref_squeeze %dma_wait3A_235 : memref<1x128xi32, #tpu.memory_space<vmem>> -> memref<128xi32, #tpu.memory_space<vmem>>
    %dma_wait3A_237 = arith.constant 0 : i32
    %dma_wait3A_238 = arith.constant 0 : i32
    %dma_wait3A_239 = tpu.memref_slice %arg3[%dma_wait3A_237, %dma_wait3A_238] : memref<100000x128xf32, #tpu.memory_space<hbm>> -> memref<100000x128xf32, #tpu.memory_space<hbm>>
    tpu.wait_indirect_dma semaphore(%arg11 : memref<!tpu.dma_semaphore, #tpu.memory_space<semaphore_mem>>) src(%dma_wait3A_239 : memref<100000x128xf32, #tpu.memory_space<hbm>>) dst(%arg9 : memref<128x128xf32, #tpu.memory_space<vmem>>)
    %mul3A_240 = arith.constant 128 : i32
    %mul3A_241 = arith.muli %add3A, %mul3A_240 : i32
    %add3A_242 = arith.constant 196608 : i32
    %add3A_243 = arith.addi %add3A_242, %mul3A_241 : i32
    %dma_start3A_244 = arith.constant 0 : i32
    %dma_start3A_245 = tpu.memref_slice %arg4[%add3A_243, %dma_start3A_244] : memref<204800x128xf32, #tpu.memory_space<hbm>> -> memref<128x128xf32, #tpu.memory_space<hbm>>
    %dma_start3A_246 = arith.constant 0 : i32
    %dma_start3A_247 = tpu.memref_slice %arg4[%add3A_243, %dma_start3A_246] : memref<204800x128xf32, #tpu.memory_space<hbm>> -> memref<128x128xf32, #tpu.memory_space<hbm>>
    tpu.enqueue_dma source(%arg9 : memref<128x128xf32, #tpu.memory_space<vmem>>) target(%dma_start3A_247 : memref<128x128xf32, #tpu.memory_space<hbm>>) target_semaphore(%arg12 : memref<!tpu.dma_semaphore, #tpu.memory_space<semaphore_mem>>)
    %dma_wait3A_248 = arith.constant 0 : i32
    %dma_wait3A_249 = arith.constant 0 : i32
    %dma_wait3A_250 = tpu.memref_slice %arg4[%dma_wait3A_248, %dma_wait3A_249] : memref<204800x128xf32, #tpu.memory_space<hbm>> -> memref<128x128xf32, #tpu.memory_space<hbm>>
    %dma_wait3A_251 = arith.constant 0 : i32
    %dma_wait3A_252 = arith.constant 0 : i32
    %dma_wait3A_253 = tpu.memref_slice %arg4[%dma_wait3A_251, %dma_wait3A_252] : memref<204800x128xf32, #tpu.memory_space<hbm>> -> memref<128x128xf32, #tpu.memory_space<hbm>>
    tpu.wait_dma2 semaphore(%arg12 : memref<!tpu.dma_semaphore, #tpu.memory_space<semaphore_mem>>) src(%arg9 : memref<128x128xf32, #tpu.memory_space<vmem>>) dst(%dma_wait3A_253 : memref<128x128xf32, #tpu.memory_space<hbm>>)
    %dma_wait3A_254 = arith.constant 49 : i32
    %dma_wait3A_255 = arith.constant 0 : i32
    %dma_wait3A_256 = tpu.memref_slice %arg5[%dma_wait3A_254, %dma_wait3A_255] : memref<50x128xi32, #tpu.memory_space<vmem>> -> memref<1x128xi32, #tpu.memory_space<vmem>>
    %dma_wait3A_257 = tpu.memref_squeeze %dma_wait3A_256 : memref<1x128xi32, #tpu.memory_space<vmem>> -> memref<128xi32, #tpu.memory_space<vmem>>
    %dma_wait3A_258 = arith.constant 0 : i32
    %dma_wait3A_259 = arith.constant 0 : i32
    %dma_wait3A_260 = tpu.memref_slice %arg3[%dma_wait3A_258, %dma_wait3A_259] : memref<100000x128xf32, #tpu.memory_space<hbm>> -> memref<100000x128xf32, #tpu.memory_space<hbm>>
    tpu.wait_indirect_dma semaphore(%arg11 : memref<!tpu.dma_semaphore, #tpu.memory_space<semaphore_mem>>) src(%dma_wait3A_260 : memref<100000x128xf32, #tpu.memory_space<hbm>>) dst(%arg10 : memref<128x128xf32, #tpu.memory_space<vmem>>)
    %mul3A_261 = arith.constant 128 : i32
    %mul3A_262 = arith.muli %add3A, %mul3A_261 : i32
    %add3A_263 = arith.constant 200704 : i32
    %add3A_264 = arith.addi %add3A_263, %mul3A_262 : i32
    %dma_start3A_265 = arith.constant 0 : i32
    %dma_start3A_266 = tpu.memref_slice %arg4[%add3A_264, %dma_start3A_265] : memref<204800x128xf32, #tpu.memory_space<hbm>> -> memref<128x128xf32, #tpu.memory_space<hbm>>
    %dma_start3A_267 = arith.constant 0 : i32
    %dma_start3A_268 = tpu.memref_slice %arg4[%add3A_264, %dma_start3A_267] : memref<204800x128xf32, #tpu.memory_space<hbm>> -> memref<128x128xf32, #tpu.memory_space<hbm>>
    tpu.enqueue_dma source(%arg10 : memref<128x128xf32, #tpu.memory_space<vmem>>) target(%dma_start3A_268 : memref<128x128xf32, #tpu.memory_space<hbm>>) target_semaphore(%arg12 : memref<!tpu.dma_semaphore, #tpu.memory_space<semaphore_mem>>)
    %dma_wait3A_269 = arith.constant 0 : i32
    %dma_wait3A_270 = arith.constant 0 : i32
    %dma_wait3A_271 = tpu.memref_slice %arg4[%dma_wait3A_269, %dma_wait3A_270] : memref<204800x128xf32, #tpu.memory_space<hbm>> -> memref<128x128xf32, #tpu.memory_space<hbm>>
    %dma_wait3A_272 = arith.constant 0 : i32
    %dma_wait3A_273 = arith.constant 0 : i32
    %dma_wait3A_274 = tpu.memref_slice %arg4[%dma_wait3A_272, %dma_wait3A_273] : memref<204800x128xf32, #tpu.memory_space<hbm>> -> memref<128x128xf32, #tpu.memory_space<hbm>>
    tpu.wait_dma2 semaphore(%arg12 : memref<!tpu.dma_semaphore, #tpu.memory_space<semaphore_mem>>) src(%arg10 : memref<128x128xf32, #tpu.memory_space<vmem>>) dst(%dma_wait3A_274 : memref<128x128xf32, #tpu.memory_space<hbm>>)
    %dma_wait3A_275 = arith.constant 0 : i32
    %dma_wait3A_276 = arith.constant 0 : i32
    %dma_wait3A_277 = tpu.memref_slice %arg4[%dma_wait3A_275, %dma_wait3A_276] : memref<204800x128xf32, #tpu.memory_space<hbm>> -> memref<128x128xf32, #tpu.memory_space<hbm>>
    %dma_wait3A_278 = arith.constant 0 : i32
    %dma_wait3A_279 = arith.constant 0 : i32
    %dma_wait3A_280 = tpu.memref_slice %arg4[%dma_wait3A_278, %dma_wait3A_279] : memref<204800x128xf32, #tpu.memory_space<hbm>> -> memref<128x128xf32, #tpu.memory_space<hbm>>
    tpu.wait_dma2 semaphore(%arg12 : memref<!tpu.dma_semaphore, #tpu.memory_space<semaphore_mem>>) src(%arg6 : memref<128x128xf32, #tpu.memory_space<vmem>>) dst(%dma_wait3A_280 : memref<128x128xf32, #tpu.memory_space<hbm>>)
    %dma_wait3A_281 = arith.constant 0 : i32
    %dma_wait3A_282 = arith.constant 0 : i32
    %dma_wait3A_283 = tpu.memref_slice %arg4[%dma_wait3A_281, %dma_wait3A_282] : memref<204800x128xf32, #tpu.memory_space<hbm>> -> memref<128x128xf32, #tpu.memory_space<hbm>>
    %dma_wait3A_284 = arith.constant 0 : i32
    %dma_wait3A_285 = arith.constant 0 : i32
    %dma_wait3A_286 = tpu.memref_slice %arg4[%dma_wait3A_284, %dma_wait3A_285] : memref<204800x128xf32, #tpu.memory_space<hbm>> -> memref<128x128xf32, #tpu.memory_space<hbm>>
    tpu.wait_dma2 semaphore(%arg12 : memref<!tpu.dma_semaphore, #tpu.memory_space<semaphore_mem>>) src(%arg7 : memref<128x128xf32, #tpu.memory_space<vmem>>) dst(%dma_wait3A_286 : memref<128x128xf32, #tpu.memory_space<hbm>>)
    return
  }
}

</mosaic_0001>

<sc_bundles>
// kernel: kernel.3.cloned.1.call-start
scs
__scs_entry_jumppad:
0x0: {  	(pc) =	sbr.rel $0x88, $3  }
0x1: {  	(tag) =	ssettag $0x0;
	lr =	simm.s32 $0x1  }
0x2: {  	[smem:$0x3F9F] =	sst lr;
	_ =	strace $0xD0000000  }
0x3: {  	_ = 	snop  }
0x4: {  	_ = 	snop  }
0x5: {  	_ = 	snop  }
0x6: {  	_ = 	snop  }
0x7: {  	_ = 	snop  }
__scs_overlays_trampoline_lowered:
0x8: {  	[smem:$0x3FAE] =	sst s0  }
0x9: {  	[smem:$0x3FAF] =	sst s1  }
0xa: {  	[smem:$0x3FB0] =	sst s2  }
0xb: {  	[smem:$0x3FB1] =	sst s3  }
0xc: {  	[smem:$0x3FB2] =	sst s4  }
0xd: {  	[smem:$0x3FB3] =	sst s5  }
0xe: {  	[smem:$0x3FB4] =	sst s6  }
0xf: {  	[smem:$0x3FB5] =	sst s7  }
0x10: {  	[smem:$0x3FB6] =	sst s8  }
0x11: {  	[smem:$0x3FB7] =	sst s9;
	s0 =	simm.s32 @!p0 $0x0  }
0x12: {  	s1 =	sld [smem:$0x3F9D];
	s0 =	simm.s32 @p0 $0x1  }
0x13: {  	[smem:$0x3FB8] =	sst s0;
	s0 =	simm.s32 @!p1 $0x0  }
0x14: {  	s2 =	sld [smem:$0x3F9C];
	s0 =	simm.s32 @p1 $0x1  }
0x15: {  	[smem:$0x3FB9] =	sst s0;
	s0 =	simm.s32 @!p2 $0x0  }
0x16: {  	s3 =	sld [smem:$0x3FDB];
	s0 =	simm.s32 @p2 $0x1  }
0x17: {  	s4 =	simm.s32 $0x1BF5;
	[smem:$0x3FBB] =	sst s0  }
0x18: {  	s0 =	sld [smem:$0x3F9E];
	_ =	swait.ge [sflag:s4], $0x0  }
0x19: {  	s7 =	sld [smem:$0x3F9F]  }
0x1a: {  	s8 =	sadd.s32 $0xFFFFE003, lr  }
0x1b: {  	s9 =	sadd.s32 $0xFFFFFEF7, lr;
	s5 =	simm.s32 $0xFFFFFFFF;
	p2 =	slt.u32 s8, $0xFFFFF086  }
0x1c: {  	p1 =	slt.u32 s9, $0xF7A;
	s5 =	simm.s32 @!p2 $0x0  }
0x1d: {  	s5 =	simm.s32 @p1 $0x1;
	p0 =	seq.s32 s7, s2  }
0x1e: {  	s7 =	smul.u32 @!p0 $0xF7A, s2;
	p2 =	seq.s32 @!p0 s5, $0x0  }
0x1f: {  	s9 =	smul.u32 $0xF7A, s1;
	s8 =	simm.s32 @!p0 $0x1BF5;
	p2 =	por !p2, p0  }
0x20: {  	[sflag:s8] =	ssyncset.s32 @!p0 $0xFFFFF086;
	s6 =	sadd.s32 @!p0 s3, s7;
	s7 =	simm.s32 @!p0 $0x108  }
0x21: {  	s3 =	sadd.s32 s3, s9;
	s6 =	sadd.s32 @!p0 $0x88, s6;
	s7 =	simm.s32 @p2 $0x1082  }
0x22: {  	[simem:s7], [sflag:s8] =	dma.local @!p0 [hbm:s6], $0xF7A  }
0x23: {  	s9 =	sor.u32 $0xD0000000, s2;
	s6 =	simm.s32 $0x108;
	_ =	swait.ge @!p0 [sflag:s8], $0x0  }
0x24: {  	s3 =	sadd.s32 $0x88, s3;
	s6 =	simm.s32 @!p1 $0x1082;
	[sflag:s4] =	ssyncset.s32 $0xFFFFF086  }
0x25: {  	[simem:s6], [sflag:s4] =	dma.local [hbm:s3], $0xF7A  }
0x26: {  	[smem:$0x3F9F] =	sst s1;
	(tag) =	ssettag s2;
	_ =	strace s9  }
0x27: {  	s1 =	sld [smem:$0x3FAF]  }
0x28: {  	s2 =	sld [smem:$0x3FB0]  }
0x29: {  	s4 =	sld [smem:$0x3FB2]  }
0x2a: {  	p0 =	seq.s32 s5, $0x0;
	s5 =	sld [smem:$0x3FB3]  }
0x2b: {  	s6 =	sld [smem:$0x3FB4]  }
0x2c: {  	s7 =	sld [smem:$0x3FB5]  }
0x2d: {  	s3 =	simm.s32 $0x108;
	s8 =	sld [smem:$0x3FB6]  }
0x2e: {  	s3 =	simm.s32 @!p0 $0x1082;
	s9 =	sld [smem:$0x3FB7]  }
0x2f: {  	lr =	sadd.s32 s0, s3;
	s0 =	sld [smem:$0x3FAE]  }
0x30: {  	s3 =	sld [smem:$0x3FB1]  }
0x31: {  	[smem:$0x3FBA] =	sst s10  }
0x32: {  	s10 =	sld [smem:$0x3FB8];
	_ =	sdelay $0x3  }
0x33: {  	p0 =	seq.s32 s10, $0x1;
	s10 =	sld [smem:$0x3FBA];
	_ =	sdelay $0x3  }
0x34: {  	[smem:$0x3FBA] =	sst s10  }
0x35: {  	s10 =	sld [smem:$0x3FB9];
	_ =	sdelay $0x3  }
0x36: {  	p1 =	seq.s32 s10, $0x1;
	s10 =	sld [smem:$0x3FBA];
	_ =	sdelay $0x3  }
0x37: {  	[smem:$0x3FBA] =	sst s10  }
0x38: {  	s10 =	sld [smem:$0x3FBB]  }
0x39: {  	_ = 	snop;
	(pc) =	sbr.ind lr, $3  }
0x3a: {  	_ = 	snop  }
0x3b: {  	_ = 	snop  }
0x3c: {  	p2 =	seq.s32 s10, $0x1;
	s10 =	sld [smem:$0x3FBA]  }
0x3d: {  	_ =	shalt  }
0x3e: {  	_ =	shalt  }
0x3f: {  	_ =	shalt  }
0x40: {  	_ =	shalt  }
0x41: {  	_ =	shalt  }
0x42: {  	_ =	shalt  }
0x43: {  	_ =	shalt  }
0x44: {  	_ =	shalt  }
0x45: {  	_ =	shalt  }
0x46: {  	_ =	shalt  }
0x47: {  	_ =	shalt  }
0x48: {  	_ =	shalt  }
0x49: {  	_ =	shalt  }
0x4a: {  	_ =	shalt  }
0x4b: {  	_ =	shalt  }
0x4c: {  	_ =	shalt  }
0x4d: {  	_ =	shalt  }
0x4e: {  	_ =	shalt  }
0x4f: {  	_ =	shalt  }
0x50: {  	_ =	shalt  }
0x51: {  	_ =	shalt  }
0x52: {  	_ =	shalt  }
0x53: {  	_ =	shalt  }
0x54: {  	_ =	shalt  }
0x55: {  	_ =	shalt  }
0x56: {  	_ =	shalt  }
0x57: {  	_ =	shalt  }
0x58: {  	_ =	shalt  }
0x59: {  	_ =	shalt  }
0x5a: {  	_ =	shalt  }
0x5b: {  	_ =	shalt  }
0x5c: {  	_ =	shalt  }
0x5d: {  	_ =	shalt  }
0x5e: {  	_ =	shalt  }
0x5f: {  	_ =	shalt  }
0x60: {  	_ =	shalt  }
0x61: {  	_ =	shalt  }
0x62: {  	_ =	shalt  }
0x63: {  	_ =	shalt  }
0x64: {  	_ =	shalt  }
0x65: {  	_ =	shalt  }
0x66: {  	_ =	shalt  }
0x67: {  	_ =	shalt  }
0x68: {  	_ =	shalt  }
0x69: {  	_ =	shalt  }
0x6a: {  	_ =	shalt  }
0x6b: {  	_ =	shalt  }
0x6c: {  	_ =	shalt  }
0x6d: {  	_ =	shalt  }
0x6e: {  	_ =	shalt  }
0x6f: {  	_ =	shalt  }
0x70: {  	_ =	shalt  }
0x71: {  	_ =	shalt  }
0x72: {  	_ =	shalt  }
0x73: {  	_ =	shalt  }
0x74: {  	_ =	shalt  }
0x75: {  	_ =	shalt  }
0x76: {  	_ =	shalt  }
0x77: {  	_ =	shalt  }
0x78: {  	_ =	shalt  }
0x79: {  	_ =	shalt  }
0x7a: {  	_ =	shalt  }
0x7b: {  	_ =	shalt  }
0x7c: {  	_ =	shalt  }
0x7d: {  	_ =	shalt  }
0x7e: {  	_ =	shalt  }
0x7f: {  	_ =	shalt  }
0x80: {  	_ =	shalt  }
0x81: {  	_ =	shalt  }
0x82: {  	_ =	shalt  }
0x83: {  	_ =	shalt  }
0x84: {  	_ =	shalt  }
0x85: {  	_ =	shalt  }
0x86: {  	_ =	shalt  }
0x87: {  	_ =	shalt  }
.Lfunc_end0:
.L_simem_size_0:
called_computation_lowered:
.L_overlay_start_0:
0x88: {  	s2 =	sld [smem:$0x3FD9]  }
0x89: {  	s3 =	sld [smem:$0x3FFE];
	_ =	sdelay $0x1  }
0x8a: {  	s1 =	srdreg.scid  }
0x8b: {  	s0 =	sand.u32 $0x1, s1  }
0x8c: {  	s18 =	sshll.u32 s0, $0xA;
	s2 =	sadd.s32 s3, s2  }
0x8d: {  	s2 =	sadd.s32 s2, s18  }
0x8e: {  	[smem:$0x3FC6] =	sst s2  }
0x8f: {  	_ = 	snop  }
0x90: {  	s2 =	sld [smem:$0x3FC9]  }
0x91: {  	s19 =	sld [smem:$0x3FC8]  }
0x92: {  	s4 =	sld [smem:$0x3FD0];
	(tm) =	ssettm $0x1  }
0x93: {  	s5 =	sld [smem:$0x3FFB];
	_ =	sdelay $0x3  }
0x94: {  	_ =	strace s5  }
0x95: {  	s5 =	sld [smem:$0x3FFC];
	_ =	sdelay $0x3  }
0x96: {  	_ =	strace s5  }
0x97: {  	s5 =	sld [smem:$0x3FFD];
	_ =	sdelay $0x3  }
0x98: {  	_ =	strace s5  }
0x99: {  	_ =	strace $0x8FFFFFFF  }
0x9a: {  	s20 =	sld [smem:$0x3FDB];
	_ =	sdelay $0x1  }
0x9b: {  	s6 =	simm.s32 $_scs_section_size  }
0x9c: {  	s7 =	simm.s32 $_size__tile_overlayer_lowered;
	s8 =	simm.s32 $_tile_overlayer_lowered  }
0x9d: {  	s23 =	simm.s32 $0x1BFF;
	s22 =	sshll.u32 s8, $0x1;
	s5 =	sadd.s32 s6, s20  }
0x9e: {  	s9 =	simm.s32 $0x0;
	s21 =	sshll.u32 s7, $0x1;
	s7 =	sadd.s32 s22, s5  }
0x9f: {  	[timem:s9], [sflag:s23] =	dma.local [hbm:s7], s21  }
0xa0: {  	_ =	swait.ge [sflag:s23], s21  }
0xa1: {  	s6 =	ssub.s32 $0x0, s21;
	[sflag:s23] =	ssyncset.done $0x0  }
0xa2: {  	[sflag:s23] =	ssyncadd.s32 s6;
	_ =	sdelay $0x1  }
0xa3: {  	s24 =	simm.s32 $0x1B8B  }
0xa4: {  	_ =	swait.ge [sflag:s24], $0x1  }
0xa5: {  	[sflag:s24] =	ssyncset.done $0x0  }
0xa6: {  	s25 =	simm.s32 $0x1B8E;
	[sflag:s24] =	ssyncadd.s32 $0xFFFFFFFF  }
0xa7: {  	s26 =	simm.s32 $execute0_lowered;
	[smem:$0x3FD2] =	sst s25  }
0xa8: {  	s6 =	sshll.u32 s26, $0x1;
	_ =	strace $0x80000046;
	[dreg:$0x1] =	wrdreg $0xFFFFFFFF  }
0xa9: {  	s28 =	simm.s32 $_size_execute0_lowered;
	s5 =	sadd.s32 s5, s6;
	[dreg:$0x0] =	wrdreg $0x0  }
0xaa: {  	s6 =	sshll.u32 s28, $0x1;
	[dreg:$0x2] =	wrdreg s5  }
0xab: {  	[dreg:$0x3] =	wrdreg s6  }
0xac: {  	[dreg:$0x4] =	wrdreg $0xC0  }
0xad: {  	_ =	task [dreg:s9], $0x5FFFF  }
0xae: {  	[dreg:$0x1] =	wrdreg $0xFFFFFFFF  }
0xaf: {  	[dreg:$0x0] =	wrdreg $0x60  }
0xb0: {  	[dreg:$0x2] =	wrdreg s2  }
0xb1: {  	[dreg:$0x3] =	wrdreg s19  }
0xb2: {  	[dreg:$0x4] =	wrdreg s4  }
0xb3: {  	[dreg:$0x5] =	wrdreg $0x9  }
0xb4: {  	_ =	task.clear_ibuf [dreg:s9], $0x6FFFF;
	_ =	strace $0x90000046  }
0xb5: {  	s29 =	simm.s32 $0x9;
	_ =	strace $0x80000048  }
0xb6: {  	_ =	swait.ge [sflag:s29], $0x1  }
0xb7: {  	[sflag:s29] =	ssyncadd.s32 $0xFFFFFFFF  }
0xb8: {  	_ =	strace $0x90000048  }
0xb9: {  	_ =	sfence  }
0xba: {  	s30 =	sld [smem:$0x0];
	_ =	sdelay $0x2  }
0xbb: {  	s31 =	sshll.u32 s1, $0xD;
	s1 =	sshrl.u32 s1, $0x2  }
0xbc: {  	s3 =	sand.u32 $0x4000, s31;
	s1 =	sadd.s32 s1, s30  }
0xbd: {  	s0 =	sor.u32 s3, s0;
	s1 =	sshll.u32 s1, $0x11  }
0xbe: {  	s0 =	sor.u32 s1, s0  }
0xbf: {  	s0 =	sadd.s32 $0x8F2B, s0  }
0xc0: {  	[sflag:s0] =	ssyncadd.remote.s32 $0x1  }
0xc1: {  	_ =	sfence.sel $0xFFFF  }
0xc2: {  	[dreg:$0x0] =	wrdreg $0xFFFFFFFF;
	(pc) =	sbr.abs _section_cstart, $3  }
0xc3: {  	[dreg:$0x1] =	wrdreg $0xFFFFFFFF  }
0xc4: {  	_ =	task.clear_ibuf [dreg:s9], $0x2FFFF;
	_ =	strace $0x9FFFFFFF  }
0xc5: {  	(tm) =	ssettm $0x7FFFFFFF  }
tec
execute0_lowered:
.L_overlay_start_1:
0x0: {  	(tag) =	ssettag $0x1  }
0x1: {  	s0 =	rddreg [dreg:$0x0]  }
0x2: {  	s2 =	rddreg [dreg:$0x1]  }
0x3: {  	s1 =	rddreg [dreg:$0x2]  }
0x4: {  	s3 =	srdreg.scid;
	s14 =	stileid.u32;
	s20 =	simm.s32 $0x1800  }
0x5: {  	s21 =	simm.s32 $0x3;
	s22 =	simm.s32 $0x80;
	s23 =	simm.s32 $0x1C00  }
0x6: {  	s24 =	simm.s32 $0x5C00;
	s29 =	simm.s32 $0xDC00;
	s31 =	simm.s32 $0x11C00  }
0x7: {  	s30 =	simm.s32 $0x0;
	s15 =	sand.u32 $0x1, s3;
	s3 =	simm.s32 $0x0  }
0x8: {  	s4 =	sshll.u32 s14, $0x8;
	s26 =	sshll.u32 s14, $0xC;
	s5 =	sshll.u32 s15, $0x7  }
0x9: {  	[smem:$0x7FF] =	sst s3;
	s6 =	ssub.s32 $0x2, s15;
	s28 =	sshll.u32 s15, $0xB  }
0xa: {  	s4 =	sor.u32 s5, s4;
	_ =	strace $0x80000047;
	s25 =	sshrl.u32 s6, $0x1  }
0xb: {  	s7 =	sshll.u32 s4, $0x4;
	s16 =	ssub.s32 s6, s25;
	s4 =	sadd.s32 s0, s4  }
0xc: {  	s0 =	sadd.s32 s26, s1;
	s26 =	simm.s32 $0x9C00;
	s5 =	sadd.s32 s1, s7  }
0xd: {  	s6 =	sadd.s32 $0x6000, s4;
	s16 =	smax.u32 s16, $0x1;
	s0 =	sadd.s32 s28, s0  }
0xe: {  	s1 =	simm.s32 $0x2;
	s7 =	sadd.s32 $0x10000, s5;
	s8 =	sadd.s32 $0x20000, s5  }
0xf: {  	s9 =	sadd.s32 $0x30000, s5;
	s10 =	sadd.s32 $0x40000, s5;
	s11 =	sadd.s32 $0x2D0000, s5  }
0x10: {  	s12 =	sadd.s32 $0x2E0000, s5;
	s13 =	sadd.s32 $0x2F0000, s5;
	s14 =	sadd.s32 $0x300000, s5  }
0x11: {  	s15 =	sadd.s32 $0x310000, s5;
	s17 =	sadd.s32 $0x50000, s0;
	s0 =	simm.s32 $0x1  }
.LBB2_1:
0x12: {  	s18 =	simm.s32 $0x400;
	s19 =	simm.s32 $0x8000  }
0x13: {  	[tilespmem:s3], [sflag:$0x3] =	stream.strided.gather [hbm4b:s4+s18], $0x1800, s19, s18, $0x38;
	[tilespmem:$0x15C00] =	vst v63  }
0x14: {  	_ = 	snop  }
0x15: {  	[tilespmem:s20], [sflag:$0x3] =	stream.linear.gather [hbm4b:s6+s3], $0x100, $0x38;
	[tilespmem:$0x15C00] =	vst v63  }
0x16: {  	_ =	swait.ge [sflag:s21], $0x1900  }
0x17: {  	[sflag:s21] =	ssyncset.done $0x0  }
0x18: {  	[sflag:s21] =	ssyncadd.s32 $0xFFFFE700  }
0x19: {  	[tilespmem:s23], [sflag:$0x1] =	stream.indirect.gather [hbm4b:s2+s22], $0x80, s3, s22, $0xb8;
	[tilespmem:$0x15C00] =	vst v63  }
0x1a: {  	_ = 	snop  }
0x1b: {  	[tilespmem:s24], [sflag:$0x1] =	stream.indirect.gather [hbm4b:s2+s22], $0x80, s22, s22, $0xb8;
	[tilespmem:$0x15C00] =	vst v63  }
0x1c: {  	s25 =	simm.s32 $0x100  }
0x1d: {  	[tilespmem:s26], [sflag:$0x1] =	stream.indirect.gather [hbm4b:s2+s22], $0x80, s25, s22, $0xb8;
	[tilespmem:$0x15C00] =	vst v63  }
0x1e: {  	s28 =	simm.s32 $0x180  }
0x1f: {  	[tilespmem:s29], [sflag:$0x1] =	stream.indirect.gather [hbm4b:s2+s22], $0x80, s28, s22, $0xb8;
	[tilespmem:$0x15C00] =	vst v63  }
0x20: {  	s19 =	simm.s32 $0x200  }
0x21: {  	[tilespmem:s31], [sflag:$0x1] =	stream.indirect.gather [hbm4b:s2+s22], $0x80, s19, s22, $0xb8;
	[tilespmem:$0x15C00] =	vst v63  }
0x22: {  	_ =	swait.ge [sflag:s0], $0x4000  }
0x23: {  	[sflag:s0] =	ssyncset.done $0x0  }
0x24: {  	[sflag:s0] =	ssyncadd.s32 $0xFFFFC000  }
0x25: {  	[hbm4b:s5+s3] =	stream.linear.scatter [tilespmem:s23], [sflag:$0x2], $0x4000, $0x38;
	[tilespmem:$0x15C00] =	vst v63  }
0x26: {  	_ =	swait.ge [sflag:s0], $0x4000  }
0x27: {  	[sflag:s0] =	ssyncset.done $0x0  }
0x28: {  	[sflag:s0] =	ssyncadd.s32 $0xFFFFC000  }
0x29: {  	[hbm4b:s7+s3] =	stream.linear.scatter [tilespmem:s24], [sflag:$0x2], $0x4000, $0x38;
	[tilespmem:$0x15C00] =	vst v63  }
0x2a: {  	_ =	swait.ge [sflag:s0], $0x4000  }
0x2b: {  	[sflag:s0] =	ssyncset.done $0x0  }
0x2c: {  	[sflag:s0] =	ssyncadd.s32 $0xFFFFC000  }
0x2d: {  	[hbm4b:s8+s3] =	stream.linear.scatter [tilespmem:s26], [sflag:$0x2], $0x4000, $0x38;
	[tilespmem:$0x15C00] =	vst v63  }
0x2e: {  	_ =	swait.ge [sflag:s1], $0x4000  }
0x2f: {  	[sflag:s1] =	ssyncset.done $0x0  }
0x30: {  	s25 =	simm.s32 $0x280;
	[sflag:s1] =	ssyncadd.s32 $0xFFFFC000  }
0x31: {  	[tilespmem:s23], [sflag:$0x1] =	stream.indirect.gather [hbm4b:s2+s22], $0x80, s25, s22, $0xb8;
	[tilespmem:$0x15C00] =	vst v63  }
0x32: {  	_ =	swait.ge [sflag:s0], $0x4000  }
0x33: {  	[sflag:s0] =	ssyncset.done $0x0  }
0x34: {  	[sflag:s0] =	ssyncadd.s32 $0xFFFFC000  }
0x35: {  	[hbm4b:s9+s3] =	stream.linear.scatter [tilespmem:s29], [sflag:$0x2], $0x4000, $0x38;
	[tilespmem:$0x15C00] =	vst v63  }
0x36: {  	_ =	swait.ge [sflag:s1], $0x4000  }
0x37: {  	[sflag:s1] =	ssyncset.done $0x0  }
0x38: {  	s28 =	simm.s32 $0x300;
	[sflag:s1] =	ssyncadd.s32 $0xFFFFC000  }
0x39: {  	[tilespmem:s24], [sflag:$0x1] =	stream.indirect.gather [hbm4b:s2+s22], $0x80, s28, s22, $0xb8;
	[tilespmem:$0x15C00] =	vst v63  }
0x3a: {  	_ =	swait.ge [sflag:s0], $0x4000  }
0x3b: {  	[sflag:s0] =	ssyncset.done $0x0  }
0x3c: {  	[sflag:s0] =	ssyncadd.s32 $0xFFFFC000  }
0x3d: {  	[hbm4b:s10+s3] =	stream.linear.scatter [tilespmem:s31], [sflag:$0x2], $0x4000, $0x38;
	[tilespmem:$0x15C00] =	vst v63  }
0x3e: {  	_ =	swait.ge [sflag:s1], $0x4000  }
0x3f: {  	[sflag:s1] =	ssyncset.done $0x0  }
0x40: {  	s19 =	simm.s32 $0x380;
	[sflag:s1] =	ssyncadd.s32 $0xFFFFC000  }
0x41: {  	[tilespmem:s26], [sflag:$0x1] =	stream.indirect.gather [hbm4b:s2+s22], $0x80, s19, s22, $0xb8;
	[tilespmem:$0x15C00] =	vst v63  }
0x42: {  	_ =	swait.ge [sflag:s0], $0x4000  }
0x43: {  	[sflag:s0] =	ssyncset.done $0x0  }
0x44: {  	[sflag:s0] =	ssyncadd.s32 $0xFFFFC000  }
0x45: {  	[hbm4b:s17+s3] =	stream.linear.scatter [tilespmem:s23], [sflag:$0x2], $0x4000, $0x38;
	[tilespmem:$0x15C00] =	vst v63  }
0x46: {  	_ =	swait.ge [sflag:s1], $0x4000  }
0x47: {  	[sflag:s1] =	ssyncset.done $0x0  }
0x48: {  	s25 =	simm.s32 $0x400;
	[sflag:s1] =	ssyncadd.s32 $0xFFFFC000  }
0x49: {  	[tilespmem:s29], [sflag:$0x1] =	stream.indirect.gather [hbm4b:s2+s22], $0x80, s25, s22, $0xb8;
	[tilespmem:$0x15C00] =	vst v63  }
0x4a: {  	_ =	swait.ge [sflag:s0], $0x4000  }
0x4b: {  	[sflag:s0] =	ssyncset.done $0x0  }
0x4c: {  	s28 =	sadd.s32 $0x10000, s17;
	[sflag:s0] =	ssyncadd.s32 $0xFFFFC000  }
0x4d: {  	[hbm4b:s28+s3] =	stream.linear.scatter [tilespmem:s24], [sflag:$0x2], $0x4000, $0x38;
	[tilespmem:$0x15C00] =	vst v63  }
0x4e: {  	_ =	swait.ge [sflag:s1], $0x4000  }
0x4f: {  	[sflag:s1] =	ssyncset.done $0x0  }
0x50: {  	s19 =	simm.s32 $0x480;
	[sflag:s1] =	ssyncadd.s32 $0xFFFFC000  }
0x51: {  	[tilespmem:s31], [sflag:$0x1] =	stream.indirect.gather [hbm4b:s2+s22], $0x80, s19, s22, $0xb8;
	[tilespmem:$0x15C00] =	vst v63  }
0x52: {  	_ =	swait.ge [sflag:s0], $0x4000  }
0x53: {  	[sflag:s0] =	ssyncset.done $0x0  }
0x54: {  	s25 =	sadd.s32 $0x20000, s17;
	[sflag:s0] =	ssyncadd.s32 $0xFFFFC000  }
0x55: {  	[hbm4b:s25+s3] =	stream.linear.scatter [tilespmem:s26], [sflag:$0x2], $0x4000, $0x38;
	[tilespmem:$0x15C00] =	vst v63  }
0x56: {  	_ =	swait.ge [sflag:s1], $0x4000  }
0x57: {  	[sflag:s1] =	ssyncset.done $0x0  }
0x58: {  	s28 =	simm.s32 $0x500;
	[sflag:s1] =	ssyncadd.s32 $0xFFFFC000  }
0x59: {  	[tilespmem:s23], [sflag:$0x1] =	stream.indirect.gather [hbm4b:s2+s22], $0x80, s28, s22, $0xb8;
	[tilespmem:$0x15C00] =	vst v63  }
0x5a: {  	_ =	swait.ge [sflag:s0], $0x4000  }
0x5b: {  	[sflag:s0] =	ssyncset.done $0x0  }
0x5c: {  	s19 =	sadd.s32 $0x30000, s17;
	[sflag:s0] =	ssyncadd.s32 $0xFFFFC000  }
0x5d: {  	[hbm4b:s19+s3] =	stream.linear.scatter [tilespmem:s29], [sflag:$0x2], $0x4000, $0x38;
	[tilespmem:$0x15C00] =	vst v63  }
0x5e: {  	_ =	swait.ge [sflag:s1], $0x4000  }
0x5f: {  	[sflag:s1] =	ssyncset.done $0x0  }
0x60: {  	s25 =	simm.s32 $0x580;
	[sflag:s1] =	ssyncadd.s32 $0xFFFFC000  }
0x61: {  	[tilespmem:s24], [sflag:$0x1] =	stream.indirect.gather [hbm4b:s2+s22], $0x80, s25, s22, $0xb8;
	[tilespmem:$0x15C00] =	vst v63  }
0x62: {  	_ =	swait.ge [sflag:s0], $0x4000  }
0x63: {  	[sflag:s0] =	ssyncset.done $0x0  }
0x64: {  	s28 =	sadd.s32 $0x40000, s17;
	[sflag:s0] =	ssyncadd.s32 $0xFFFFC000  }
0x65: {  	[hbm4b:s28+s3] =	stream.linear.scatter [tilespmem:s31], [sflag:$0x2], $0x4000, $0x38;
	[tilespmem:$0x15C00] =	vst v63  }
0x66: {  	_ =	swait.ge [sflag:s1], $0x4000  }
0x67: {  	s18 =	simm.s32 $0xA00;
	[sflag:s1] =	ssyncset.done $0x0  }
0x68: {  	s19 =	sadd.s32 $0x50000, s17;
	s25 =	simm.s32 $0x600;
	[sflag:s1] =	ssyncadd.s32 $0xFFFFC000  }
.LBB2_2:
0x69: {  	[tilespmem:s26], [sflag:$0x1] =	stream.indirect.gather [hbm4b:s2+s22], $0x80, s25, s22, $0xb8;
	[tilespmem:$0x15C00] =	vst v63  }
0x6a: {  	s25 =	smov.u32 s18  }
0x6b: {  	p0 =	sne.s32 s18, $0x4600;
	s18 =	sadd.s32 $0xA00, s18;
	_ =	swait.ge [sflag:s0], $0x4000  }
0x6c: {  	[sflag:s0] =	ssyncset.done $0x0  }
0x6d: {  	[sflag:s0] =	ssyncadd.s32 $0xFFFFC000  }
0x6e: {  	[hbm4b:s19+s3] =	stream.linear.scatter [tilespmem:s23], [sflag:$0x2], $0x4000, $0x38;
	[tilespmem:$0x15C00] =	vst v63  }
0x6f: {  	_ =	swait.ge [sflag:s1], $0x4000  }
0x70: {  	s25 =	sshra.s32 s25, $0x2;
	[sflag:s1] =	ssyncset.done $0x0  }
0x71: {  	s28 =	sadd.s32 $0x400, s25;
	[sflag:s1] =	ssyncadd.s32 $0xFFFFC000  }
0x72: {  	[tilespmem:s29], [sflag:$0x1] =	stream.indirect.gather [hbm4b:s2+s22], $0x80, s28, s22, $0xb8;
	[tilespmem:$0x15C00] =	vst v63  }
0x73: {  	_ =	swait.ge [sflag:s0], $0x4000  }
0x74: {  	[sflag:s0] =	ssyncset.done $0x0  }
0x75: {  	s28 =	sadd.s32 $0x10000, s19;
	[sflag:s0] =	ssyncadd.s32 $0xFFFFC000  }
0x76: {  	[hbm4b:s28+s3] =	stream.linear.scatter [tilespmem:s24], [sflag:$0x2], $0x4000, $0x38;
	[tilespmem:$0x15C00] =	vst v63  }
0x77: {  	_ =	swait.ge [sflag:s1], $0x4000  }
0x78: {  	[sflag:s1] =	ssyncset.done $0x0  }
0x79: {  	s28 =	sadd.s32 $0x480, s25;
	[sflag:s1] =	ssyncadd.s32 $0xFFFFC000  }
0x7a: {  	[tilespmem:s31], [sflag:$0x1] =	stream.indirect.gather [hbm4b:s2+s22], $0x80, s28, s22, $0xb8;
	[tilespmem:$0x15C00] =	vst v63  }
0x7b: {  	_ =	swait.ge [sflag:s0], $0x4000  }
0x7c: {  	[sflag:s0] =	ssyncset.done $0x0  }
0x7d: {  	s28 =	sadd.s32 $0x20000, s19;
	[sflag:s0] =	ssyncadd.s32 $0xFFFFC000  }
0x7e: {  	[hbm4b:s28+s3] =	stream.linear.scatter [tilespmem:s26], [sflag:$0x2], $0x4000, $0x38;
	[tilespmem:$0x15C00] =	vst v63  }
0x7f: {  	_ =	swait.ge [sflag:s1], $0x4000  }
0x80: {  	[sflag:s1] =	ssyncset.done $0x0  }
0x81: {  	s28 =	sadd.s32 $0x500, s25;
	[sflag:s1] =	ssyncadd.s32 $0xFFFFC000  }
0x82: {  	[tilespmem:s23], [sflag:$0x1] =	stream.indirect.gather [hbm4b:s2+s22], $0x80, s28, s22, $0xb8;
	[tilespmem:$0x15C00] =	vst v63  }
0x83: {  	_ =	swait.ge [sflag:s0], $0x4000  }
0x84: {  	[sflag:s0] =	ssyncset.done $0x0  }
0x85: {  	s28 =	sadd.s32 $0x30000, s19;
	[sflag:s0] =	ssyncadd.s32 $0xFFFFC000  }
0x86: {  	[hbm4b:s28+s3] =	stream.linear.scatter [tilespmem:s29], [sflag:$0x2], $0x4000, $0x38;
	[tilespmem:$0x15C00] =	vst v63  }
0x87: {  	_ =	swait.ge [sflag:s1], $0x4000  }
0x88: {  	[sflag:s1] =	ssyncset.done $0x0  }
0x89: {  	s28 =	sadd.s32 $0x580, s25;
	[sflag:s1] =	ssyncadd.s32 $0xFFFFC000  }
0x8a: {  	[tilespmem:s24], [sflag:$0x1] =	stream.indirect.gather [hbm4b:s2+s22], $0x80, s28, s22, $0xb8;
	[tilespmem:$0x15C00] =	vst v63  }
0x8b: {  	_ =	swait.ge [sflag:s0], $0x4000  }
0x8c: {  	[sflag:s0] =	ssyncset.done $0x0  }
.Ltmp0:
0x8d: {  	s28 =	sadd.s32 $0x40000, s19;
	[sflag:s0] =	ssyncadd.s32 $0xFFFFC000;
	(pc) =	sbr.rel @p0 .LBB2_2-.Ltmp0, $4  }
0x8e: {  	[hbm4b:s28+s3] =	stream.linear.scatter [tilespmem:s31], [sflag:$0x2], $0x4000, $0x38;
	[tilespmem:$0x15C00] =	vst v63  }
0x8f: {  	_ =	swait.ge [sflag:s1], $0x4000  }
0x90: {  	[sflag:s1] =	ssyncset.done $0x0  }
0x91: {  	s25 =	sadd.s32 $0x600, s25;
	s19 =	sadd.s32 $0x50000, s19;
	[sflag:s1] =	ssyncadd.s32 $0xFFFFC000  }
0x92: {  	[tilespmem:s26], [sflag:$0x1] =	stream.indirect.gather [hbm4b:s2+s22], $0x80, s25, s22, $0xb8;
	[tilespmem:$0x15C00] =	vst v63  }
0x93: {  	_ =	swait.ge [sflag:s0], $0x4000  }
0x94: {  	[sflag:s0] =	ssyncset.done $0x0  }
0x95: {  	[sflag:s0] =	ssyncadd.s32 $0xFFFFC000  }
0x96: {  	[hbm4b:s11+s3] =	stream.linear.scatter [tilespmem:s23], [sflag:$0x2], $0x4000, $0x38;
	[tilespmem:$0x15C00] =	vst v63  }
0x97: {  	_ =	swait.ge [sflag:s1], $0x4000  }
0x98: {  	[sflag:s1] =	ssyncset.done $0x0  }
0x99: {  	[sflag:s1] =	ssyncadd.s32 $0xFFFFC000  }
0x9a: {  	[tilespmem:s29], [sflag:$0x1] =	stream.indirect.gather [hbm4b:s2+s22], $0x80, s20, s22, $0xb8;
	[tilespmem:$0x15C00] =	vst v63  }
0x9b: {  	_ =	swait.ge [sflag:s0], $0x4000  }
0x9c: {  	[sflag:s0] =	ssyncset.done $0x0  }
0x9d: {  	[sflag:s0] =	ssyncadd.s32 $0xFFFFC000  }
0x9e: {  	[hbm4b:s12+s3] =	stream.linear.scatter [tilespmem:s24], [sflag:$0x2], $0x4000, $0x38;
	[tilespmem:$0x15C00] =	vst v63  }
0x9f: {  	_ =	swait.ge [sflag:s1], $0x4000  }
0xa0: {  	[sflag:s1] =	ssyncset.done $0x0  }
0xa1: {  	s18 =	simm.s32 $0x1880;
	[sflag:s1] =	ssyncadd.s32 $0xFFFFC000  }
0xa2: {  	[tilespmem:s31], [sflag:$0x1] =	stream.indirect.gather [hbm4b:s2+s22], $0x80, s18, s22, $0xb8;
	[tilespmem:$0x15C00] =	vst v63  }
0xa3: {  	_ =	swait.ge [sflag:s0], $0x4000  }
0xa4: {  	[sflag:s0] =	ssyncset.done $0x0  }
0xa5: {  	[sflag:s0] =	ssyncadd.s32 $0xFFFFC000  }
0xa6: {  	[hbm4b:s13+s3] =	stream.linear.scatter [tilespmem:s26], [sflag:$0x2], $0x4000, $0x38;
	[tilespmem:$0x15C00] =	vst v63  }
0xa7: {  	_ =	swait.ge [sflag:s1], $0x4000  }
0xa8: {  	[sflag:s1] =	ssyncset.done $0x0  }
0xa9: {  	[sflag:s1] =	ssyncadd.s32 $0xFFFFC000  }
0xaa: {  	_ =	swait.ge [sflag:s0], $0x4000  }
0xab: {  	[sflag:s0] =	ssyncset.done $0x0  }
0xac: {  	[sflag:s0] =	ssyncadd.s32 $0xFFFFC000  }
0xad: {  	[hbm4b:s14+s3] =	stream.linear.scatter [tilespmem:s29], [sflag:$0x2], $0x4000, $0x38;
	[tilespmem:$0x15C00] =	vst v63  }
0xae: {  	_ =	swait.ge [sflag:s1], $0x4000  }
0xaf: {  	[sflag:s1] =	ssyncset.done $0x0  }
0xb0: {  	[sflag:s1] =	ssyncadd.s32 $0xFFFFC000  }
0xb1: {  	_ =	swait.ge [sflag:s0], $0x4000  }
0xb2: {  	[sflag:s0] =	ssyncset.done $0x0  }
0xb3: {  	[sflag:s0] =	ssyncadd.s32 $0xFFFFC000  }
0xb4: {  	[hbm4b:s15+s3] =	stream.linear.scatter [tilespmem:s31], [sflag:$0x2], $0x4000, $0x38;
	[tilespmem:$0x15C00] =	vst v63  }
0xb5: {  	_ =	swait.ge [sflag:s1], $0x4000  }
0xb6: {  	[sflag:s1] =	ssyncset.done $0x0  }
0xb7: {  	s30 =	sadd.s32 $0x1, s30;
	[sflag:s1] =	ssyncadd.s32 $0xFFFFC000  }
0xb8: {  	p0 =	sne.s32 s30, s16;
	_ =	swait.ge [sflag:s1], $0x4000  }
.Ltmp1:
0xb9: {  	[sflag:s1] =	ssyncset.done $0x0;
	(pc) =	sbr.rel @p0 .LBB2_1-.Ltmp1, $4  }
0xba: {  	[sflag:s1] =	ssyncadd.s32 $0xFFFFC000  }
0xbb: {  	_ =	swait.ge [sflag:s1], $0x4000  }
0xbc: {  	[sflag:s1] =	ssyncset.done $0x0  }
0xbd: {  	[sflag:s1] =	ssyncadd.s32 $0xFFFFC000  }
0xbe: {  	_ =	sfence.sel $0x180000  }
0xbf: {  	[bflag:$0x0] =	sbarrier.arrive $0xFFFF  }
0xc0: {  	_ =	strace $0x90000047  }
0xc1: {  	s0 =	stileid.u32;
	[bflag:$0x2] =	sbarrier.arrive $0xFFFF  }
0xc2: {  	p0 =	sne.s32 s0, $0x0;
	s0 =	rddreg [dreg:$0x3]  }
0xc3: {  	s0 =	sadd.s32 @!p0 $0x100000, s0  }
0xc4: {  	[sflag:s0] =	ssyncadd.tile.s32 @!p0 $0x1;
	_ =	shalt  }
.Lfunc_end2:
_tile_overlayer_lowered:
.L_overlay_start_2:
0xc5: {  	(tag) =	ssettag $0x2  }
0xc6: {  	s0 =	rddreg [dreg:$0x0];
	s2 =	stileid.u32  }
0xc7: {  	s1 =	rddreg [dreg:$0x1];
	p0 =	sne.s32 s2, $0x0  }
0xc8: {  	s3 =	rddreg [dreg:$0x2];
	[bflag:$0x3] =	sbarrier.arrive $0xFFFF;
	s2 =	simm.s32 @!p0 $0x1C03  }
0xc9: {  	[timem:s3], [sflag:s2] =	dma.local @!p0 [hbm:s0], s1  }
0xca: {  	s0 =	simm.s32 @!p0 $0x3  }
0xcb: {  	_ =	swait.ge @!p0 [sflag:s0], s1  }
0xcc: {  	s1 =	ssub.s32 @!p0 $0x0, s1;
	[sflag:s0] =	ssyncset.done @!p0 $0x0  }
0xcd: {  	[sflag:s0] =	ssyncadd.s32 @!p0 s1  }
0xce: {  	[bflag:$0x3] =	sbarrier.arrive $0xFFFF  }
0xcf: {  	_ =	shalt  }

</sc_bundles>
